<compile_context>
chip_gen: v7x
topology: tpu7x:2x2x1
jax: 0.10.2.dev20260603
libtpu: 0.0.44.dev20260713+nightly
codegen_flags: <defaults>
</compile_context>

<pallas_src>
import functools

import numpy as np

import jax
import jax.numpy as jnp
from jax import lax
from jax.experimental import pallas as pl
from jax.experimental.pallas import tpu as pltpu
from jax.experimental.pallas import tpu_sc as plsc

SRC = 100000
TGT = 50000
NNZ = 500000
D = 128
NCHUNK = 4
CW = 32
NSC = 2
NTILE = 16
K = 128
NNZP = 524288
NT = NNZP // NTILE
NB = NT // K
PB = 8
NOB2 = NB // (2 * PB)
TGTP = 50176
RPT = TGTP // NTILE
ZR = 112

_SC_MESH = plsc.VectorSubcoreMesh(core_axis_name="c", subcore_axis_name="s")


def _sc_body(xt, rows2, cols2, vals2, out, colsv, rowsv, valsv, bufs,
             bufs16, zbuf, acc, gs0, gs1, gs2, gs3, ss0, ss1, ss2, ss3, is0, is1):
    core = lax.axis_index("c")
    sid = lax.axis_index("s")
    gsem = (gs0, gs1, gs2, gs3)
    ssem = (ss0, ss1, ss2, ss3)
    isem = (is0, is1)

    zv = jnp.zeros((32,), jnp.bfloat16)

    def zero_zbuf(i, carry):
        zbuf[i, 0:32] = zv
        return carry

    lax.fori_loop(0, ZR, zero_zbuf, 0)

    def chunk_body(cc, carry0):
        chunk = core * (NCHUNK // NSC) + cc
        table = xt.at[chunk]

        def idx_start(blk, slot):
            r0 = sid * NB + blk * PB
            pltpu.async_copy(cols2.at[pl.ds(r0, PB)], colsv.at[slot],
                             isem[slot])
            pltpu.async_copy(rows2.at[pl.ds(r0, PB)], rowsv.at[slot],
                             isem[slot])
            pltpu.async_copy(vals2.at[pl.ds(r0, PB)], valsv.at[slot],
                             isem[slot])

        def idx_wait(slot):
            r0 = sid * NB
            pltpu.make_async_copy(cols2.at[pl.ds(r0, PB)], colsv.at[slot],
                                  isem[slot]).wait()
            pltpu.make_async_copy(rows2.at[pl.ds(r0, PB)], rowsv.at[slot],
                                  isem[slot]).wait()
            pltpu.make_async_copy(vals2.at[pl.ds(r0, PB)], valsv.at[slot],
                                  isem[slot]).wait()

        def gather_start(slot, bb, p):
            pass

        def gather_wait(p):
            pass

        def scatter_start(slot, bb, p):
            pass

        def scatter_wait(p):
            pass

        idx_start(0, 0)
        idx_wait(0)
        gather_start(0, 0, 0)
        gather_start(0, 1, 1)

        def zero_acc(i, carry):
            pltpu.sync_copy(zbuf, acc.at[pl.ds(sid * RPT + i * ZR, ZR)])
            return carry

        lax.fori_loop(0, RPT // ZR, zero_acc, 0)
        plsc.subcore_barrier()

        def outer(ob, carry):
            for half in range(2):
                cur = half
                nxt = 1 - half
                for p in range(PB):
                    q = (p + 2) % 4
                    if half == 0 and p < 2:
                        @pl.when(ob >= 1)
                        def _():
                            scatter_wait(q)
                    else:
                        scatter_wait(q)
                    if p == 2:
                        if half == 0:
                            idx_start(2 * ob + 1, nxt)
                        else:
                            @pl.when(ob < NOB2 - 1)
                            def _():
                                idx_start(2 * ob + 2, nxt)
                    if p == PB - 2:
                        if half == 0:
                            idx_wait(nxt)
                        else:
                            @pl.when(ob < NOB2 - 1)
                            def _():
                                idx_wait(nxt)
                    if p < PB - 2:
                        gather_start(cur, p + 2, q)
                    elif half == 0:
                        gather_start(nxt, p - (PB - 2), q)
                    else:
                        @pl.when(ob < NOB2 - 1)
                        def _():
                            gather_start(nxt, p - (PB - 2), q)
                    gather_wait(p % 4)

                    def scale(g, c2):
                        vv = valsv[cur, p, pl.ds(g * 16, 16)]
                        for jj in range(16):
                            j = g * 16 + jj
                            v = vv[jj]
                            a = bufs[p % 4, j, 0:16] * v
                            b = bufs[p % 4, j, 16:32] * v
                            bufs16[p % 4, j, 0:32] = plsc.pack(
                                a, b, format=plsc.PackFormat.INTERLEAVED)
                        return c2

                    scatter_start(cur, p, p % 4)
            return carry

        lax.fori_loop(0, NOB2, outer, 0)
        scatter_wait(2)
        scatter_wait(3)
        plsc.subcore_barrier()

        def write_out(i, carry):
            o = sid * RPT + i * ZR
            pltpu.sync_copy(acc.at[pl.ds(o, ZR)],
                            out.at[pl.ds(o, ZR), pl.ds(chunk * CW, CW)])
            return carry

        lax.fori_loop(0, RPT // ZR, write_out, 0)
        plsc.subcore_barrier()
        return carry0

    lax.fori_loop(0, NCHUNK // NSC, chunk_body, 0)


_sc_spmm = functools.partial(
    pl.kernel,
    out_type=jax.ShapeDtypeStruct((TGTP, D), jnp.bfloat16),
    mesh=_SC_MESH,
    scratch_types=[
        pltpu.VMEM((2, PB, K), jnp.int32),
        pltpu.VMEM((2, PB, K), jnp.int32),
        pltpu.VMEM((2, PB, K), jnp.float32),
        pltpu.VMEM((4, K, CW), jnp.float32),
        pltpu.VMEM((4, K, CW), jnp.bfloat16),
        pltpu.VMEM((ZR, CW), jnp.bfloat16),
        pltpu.VMEM_SHARED((TGTP, CW), jnp.bfloat16),
        pltpu.SemaphoreType.DMA,
        pltpu.SemaphoreType.DMA,
        pltpu.SemaphoreType.DMA,
        pltpu.SemaphoreType.DMA,
        pltpu.SemaphoreType.DMA,
        pltpu.SemaphoreType.DMA,
        pltpu.SemaphoreType.DMA,
        pltpu.SemaphoreType.DMA,
        pltpu.SemaphoreType.DMA,
        pltpu.SemaphoreType.DMA,
    ],
    compiler_params=pltpu.CompilerParams(use_tc_tiling_on_sc=False,
                                         needs_layout_passes=False),
)(_sc_body)


RB = 2000


def _tc_body(mc_ref, w_ref, b_ref, g_ref, be_ref, o_ref):
    m = mc_ref[...].astype(jnp.float32)
    h = jnp.dot(m, w_ref[...], preferred_element_type=jnp.float32)
    h = h + b_ref[...]
    mean = jnp.mean(h, axis=-1, keepdims=True)
    cen = h - mean
    var = jnp.mean(cen * cen, axis=-1, keepdims=True)
    normed = cen * lax.rsqrt(var + 1e-5) * g_ref[...] + be_ref[...]
    o_ref[...] = normed * 0.5 * (1.0 + lax.erf(normed * 0.7071067811865476))


def _tc_dense(mc, w, b2, g2, be2):
    return pl.pallas_call(
        _tc_body,
        grid=(TGT // RB,),
        in_specs=[
            pl.BlockSpec((RB, D), lambda i: (i, 0)),
            pl.BlockSpec((D, D), lambda i: (0, 0)),
            pl.BlockSpec((1, D), lambda i: (0, 0)),
            pl.BlockSpec((1, D), lambda i: (0, 0)),
            pl.BlockSpec((1, D), lambda i: (0, 0)),
        ],
        out_specs=pl.BlockSpec((RB, D), lambda i: (i, 0)),
        out_shape=jax.ShapeDtypeStruct((TGT, D), jnp.float32),
    )(mc, w, b2, g2, be2)


def kernel(x, map_rows, map_cols, map_vals, W, b, gamma, beta):
    rows = map_rows.astype(jnp.int32)
    cols = map_cols.astype(jnp.int32)
    vals = map_vals.astype(jnp.float32)
    pad = NNZP - NNZ
    rows = jnp.concatenate([rows, jnp.zeros((pad,), jnp.int32)])
    cols = jnp.concatenate([cols, jnp.zeros((pad,), jnp.int32)])
    vals = jnp.concatenate([vals, jnp.zeros((pad,), jnp.float32)])
    rows2 = rows.reshape(NNZP // K, K)
    cols2 = cols.reshape(NNZP // K, K)
    vals2 = vals.reshape(NNZP // K, K)
    xt = x.reshape(SRC, NCHUNK, CW).transpose(1, 0, 2)
    mc = _sc_spmm(xt, rows2, cols2, vals2)
    perm = np.array([k * CW + (q // 2) + 16 * (q % 2)
                     for k in range(NCHUNK) for q in range(CW)])
    return _tc_dense(mc, W[perm, :], b.reshape(1, D), gamma.reshape(1, D),
                     beta.reshape(1, D))

# --- scband reference (transcript-rebuilt; emitter-appended) ---
"""Pipeline reference for scband-shared-sparse-mapping-31233002177254 (READ-ONLY COPY).

The authoritative reference and input builder live on the scoring server;
editing this copy changes nothing except your own understanding.
"""

import jax, jax.numpy as jnp
import numpy as np

SRC_NODES = 100000
TGT_NODES = 50000
NNZ = 500000
IN_DIM = 128
OUT_DIM = 128

def setup_inputs(seed: int = 0) -> dict:
    key = jax.random.key(seed)
    k_x, k_r, k_c, k_v, k_w, k_b = jax.random.split(key, 6)
    x = jax.random.normal(k_x, (SRC_NODES, IN_DIM), dtype=jnp.float32)
    map_rows = jax.random.randint(k_r, (NNZ,), 0, TGT_NODES, dtype=jnp.int64)
    map_cols = jax.random.randint(k_c, (NNZ,), 0, SRC_NODES, dtype=jnp.int64)
    map_vals = jax.random.uniform(k_v, (NNZ,), dtype=jnp.float32)
    W = jax.random.normal(k_w, (IN_DIM, OUT_DIM), dtype=jnp.float32) * (1.0 / np.sqrt(IN_DIM))
    b = jnp.zeros((OUT_DIM,), dtype=jnp.float32)
    gamma = jnp.ones((OUT_DIM,), dtype=jnp.float32)
    beta = jnp.zeros((OUT_DIM,), dtype=jnp.float32)
    return {"x": x, "map_rows": map_rows, "map_cols": map_cols, "map_vals": map_vals,
            "W": W, "b": b, "gamma": gamma, "beta": beta}

def reference(x, map_rows, map_cols, map_vals, W, b, gamma, beta):
    # sparse.mm(mapping, x): mapped[r] += vals * x[c]  (COO scatter-add)
    gathered = x[map_cols] * map_vals[:, None]
    mapped = jnp.zeros((TGT_NODES, x.shape[1]), dtype=x.dtype).at[map_rows].add(gathered)
    # Linear
    h = mapped @ W + b
    # LayerNorm (eps=1e-5, matching torch default)
    mean = jnp.mean(h, axis=-1, keepdims=True)
    var = jnp.mean((h - mean) ** 2, axis=-1, keepdims=True)
    normed = (h - mean) / jnp.sqrt(var + 1e-5) * gamma + beta
    # GELU (exact erf form, matching torch nn.GELU default)
    out = jax.nn.gelu(normed, approximate=False)
    return out

if __name__ == "__main__":
    import jax
    _d = setup_inputs()
    print(jax.jit(kernel)(*tuple(_d.values())))

</pallas_src>

<mosaic_0001>
#map = affine_map<(d0, d1) -> (0, 0, 0)>
#map1 = affine_map<(d0, d1) -> (0, 0)>
module attributes {stable_mosaic.version = 14 : i64} {
  func.func @_sc_body(%arg0: i32, %arg1: i32, %arg2: memref<4x100000x32xf32, #tpu.memory_space<hbm>>, %arg3: memref<4096x128xi32, #tpu.memory_space<hbm>>, %arg4: memref<4096x128xi32, #tpu.memory_space<hbm>>, %arg5: memref<4096x128xf32, #tpu.memory_space<hbm>>, %arg6: memref<50176x128xbf16, #tpu.memory_space<hbm>>, %arg7: memref<2x8x128xi32, #tpu.memory_space<vmem>>, %arg8: memref<2x8x128xi32, #tpu.memory_space<vmem>>, %arg9: memref<2x8x128xf32, #tpu.memory_space<vmem>>, %arg10: memref<4x128x32xf32, #tpu.memory_space<vmem>>, %arg11: memref<4x128x32xbf16, #tpu.memory_space<vmem>>, %arg12: memref<112x32xbf16, #tpu.memory_space<vmem>>, %arg13: memref<50176x32xbf16, #tpu.memory_space<vmem_shared>>, %arg14: memref<!tpu.dma_semaphore, #tpu.memory_space<semaphore_mem>>, %arg15: memref<!tpu.dma_semaphore, #tpu.memory_space<semaphore_mem>>, %arg16: memref<!tpu.dma_semaphore, #tpu.memory_space<semaphore_mem>>, %arg17: memref<!tpu.dma_semaphore, #tpu.memory_space<semaphore_mem>>, %arg18: memref<!tpu.dma_semaphore, #tpu.memory_space<semaphore_mem>>, %arg19: memref<!tpu.dma_semaphore, #tpu.memory_space<semaphore_mem>>, %arg20: memref<!tpu.dma_semaphore, #tpu.memory_space<semaphore_mem>>, %arg21: memref<!tpu.dma_semaphore, #tpu.memory_space<semaphore_mem>>, %arg22: memref<!tpu.dma_semaphore, #tpu.memory_space<semaphore_mem>>, %arg23: memref<!tpu.dma_semaphore, #tpu.memory_space<semaphore_mem>>) attributes {dimension_semantics = [#tpu.dimension_semantics<core_parallel>, #tpu.dimension_semantics<subcore_parallel>], iteration_bounds = array<i64: 2, 16>, scalar_prefetch = 0 : i64, scratch_operands = 17 : i64, tpu.core_type = #tpu.core_type<sc_vector_subcore>, window_params = [{transform_indices = #map}, {transform_indices = #map1}, {transform_indices = #map1}, {transform_indices = #map1}, {transform_indices = #map1}]} {
    %broadcast_in_dim3A = arith.constant 0.000000e+00 : bf16
    %broadcast_in_dim3A_0 = vector.broadcast %broadcast_in_dim3A : bf16 to vector<32xbf16>
    %scan3A = arith.constant 0 : i32
    %scan3A_1 = arith.constant 0 : i32
    %scan3A_2 = arith.constant 112 : i32
    %scan3A_3 = arith.addi %scan3A_1, %scan3A_2 : i32
    %scan3A_4 = arith.constant 1 : i32
    scf.for %scan3A_12 = %scan3A_1 to %scan3A_3 step %scan3A_4  : i32 {
      %swap3A = arith.index_cast %scan3A_12 : i32 to index
      %swap3A_13 = arith.constant 0 : index
      %swap3A_14 = tpu.vector_load %arg12[%swap3A, %swap3A_13] {strides = array<i32>} : memref<112x32xbf16, #tpu.memory_space<vmem>>, vector<32xbf16>,
      tpu.vector_store %arg12[%swap3A, %swap3A_13], %broadcast_in_dim3A_0 {strides = array<i32>} : memref<112x32xbf16, #tpu.memory_space<vmem>>, vector<32xbf16>,
    }
    %scan3A_5 = arith.constant 112 : i32
    %scan3A_6 = arith.constant 0 : i32
    %scan3A_7 = arith.constant 0 : i32
    %scan3A_8 = arith.constant 2 : i32
    %scan3A_9 = arith.addi %scan3A_7, %scan3A_8 : i32
    %scan3A_10 = arith.constant 1 : i32
    scf.for %scan3A_12 = %scan3A_7 to %scan3A_9 step %scan3A_10  : i32 {
      %mul3A = arith.constant 2 : i32
      %mul3A_13 = arith.muli %arg0, %mul3A : i32
      %add3A = arith.addi %mul3A_13, %scan3A_12 : i32
      %mul3A_14 = arith.constant 256 : i32
      %mul3A_15 = arith.muli %arg1, %mul3A_14 : i32
      %add3A_16 = arith.constant 0 : i32
      %add3A_17 = arith.addi %mul3A_15, %add3A_16 : i32
      %dma_start3A = arith.constant 0 : i32
      %dma_start3A_18 = arith.constant 0 : i32
      %dma_start3A_19 = arith.constant 0 : i32
      %dma_start3A_20 = tpu.memref_slice %arg7[%dma_start3A, %dma_start3A_18, %dma_start3A_19] : memref<2x8x128xi32, #tpu.memory_space<vmem>> -> memref<1x8x128xi32, #tpu.memory_space<vmem>>
      %dma_start3A_21 = tpu.memref_squeeze %dma_start3A_20 : memref<1x8x128xi32, #tpu.memory_space<vmem>> -> memref<8x128xi32, #tpu.memory_space<vmem>>
      %dma_start3A_22 = arith.constant 0 : i32
      %dma_start3A_23 = tpu.memref_slice %arg4[%add3A_17, %dma_start3A_22] : memref<4096x128xi32, #tpu.memory_space<hbm>> -> memref<8x128xi32, #tpu.memory_space<hbm>>
      %dma_start3A_24 = arith.constant 0 : i32
      %dma_start3A_25 = arith.constant 0 : i32
      %dma_start3A_26 = tpu.memref_slice %arg7[%dma_start3A, %dma_start3A_24, %dma_start3A_25] : memref<2x8x128xi32, #tpu.memory_space<vmem>> -> memref<1x8x128xi32, #tpu.memory_space<vmem>>
      %dma_start3A_27 = tpu.memref_squeeze %dma_start3A_26 : memref<1x8x128xi32, #tpu.memory_space<vmem>> -> memref<8x128xi32, #tpu.memory_space<vmem>>
      %dma_start3A_28 = arith.constant 0 : i32
      %dma_start3A_29 = tpu.memref_slice %arg4[%add3A_17, %dma_start3A_28] : memref<4096x128xi32, #tpu.memory_space<hbm>> -> memref<8x128xi32, #tpu.memory_space<hbm>>
      tpu.enqueue_dma source(%dma_start3A_29 : memref<8x128xi32, #tpu.memory_space<hbm>>) target(%dma_start3A_27 : memref<8x128xi32, #tpu.memory_space<vmem>>) target_semaphore(%arg22 : memref<!tpu.dma_semaphore, #tpu.memory_space<semaphore_mem>>)
      %dma_start3A_30 = arith.constant 0 : i32
      %dma_start3A_31 = arith.constant 0 : i32
      %dma_start3A_32 = arith.constant 0 : i32
      %dma_start3A_33 = tpu.memref_slice %arg8[%dma_start3A_30, %dma_start3A_31, %dma_start3A_32] : memref<2x8x128xi32, #tpu.memory_space<vmem>> -> memref<1x8x128xi32, #tpu.memory_space<vmem>>
      %dma_start3A_34 = tpu.memref_squeeze %dma_start3A_33 : memref<1x8x128xi32, #tpu.memory_space<vmem>> -> memref<8x128xi32, #tpu.memory_space<vmem>>
      %dma_start3A_35 = arith.constant 0 : i32
      %dma_start3A_36 = tpu.memref_slice %arg3[%add3A_17, %dma_start3A_35] : memref<4096x128xi32, #tpu.memory_space<hbm>> -> memref<8x128xi32, #tpu.memory_space<hbm>>
      %dma_start3A_37 = arith.constant 0 : i32
      %dma_start3A_38 = arith.constant 0 : i32
      %dma_start3A_39 = tpu.memref_slice %arg8[%dma_start3A_30, %dma_start3A_37, %dma_start3A_38] : memref<2x8x128xi32, #tpu.memory_space<vmem>> -> memref<1x8x128xi32, #tpu.memory_space<vmem>>
      %dma_start3A_40 = tpu.memref_squeeze %dma_start3A_39 : memref<1x8x128xi32, #tpu.memory_space<vmem>> -> memref<8x128xi32, #tpu.memory_space<vmem>>
      %dma_start3A_41 = arith.constant 0 : i32
      %dma_start3A_42 = tpu.memref_slice %arg3[%add3A_17, %dma_start3A_41] : memref<4096x128xi32, #tpu.memory_space<hbm>> -> memref<8x128xi32, #tpu.memory_space<hbm>>
      tpu.enqueue_dma source(%dma_start3A_42 : memref<8x128xi32, #tpu.memory_space<hbm>>) target(%dma_start3A_40 : memref<8x128xi32, #tpu.memory_space<vmem>>) target_semaphore(%arg22 : memref<!tpu.dma_semaphore, #tpu.memory_space<semaphore_mem>>)
      %dma_start3A_43 = arith.constant 0 : i32
      %dma_start3A_44 = arith.constant 0 : i32
      %dma_start3A_45 = arith.constant 0 : i32
      %dma_start3A_46 = tpu.memref_slice %arg9[%dma_start3A_43, %dma_start3A_44, %dma_start3A_45] : memref<2x8x128xf32, #tpu.memory_space<vmem>> -> memref<1x8x128xf32, #tpu.memory_space<vmem>>
      %dma_start3A_47 = tpu.memref_squeeze %dma_start3A_46 : memref<1x8x128xf32, #tpu.memory_space<vmem>> -> memref<8x128xf32, #tpu.memory_space<vmem>>
      %dma_start3A_48 = arith.constant 0 : i32
      %dma_start3A_49 = tpu.memref_slice %arg5[%add3A_17, %dma_start3A_48] : memref<4096x128xf32, #tpu.memory_space<hbm>> -> memref<8x128xf32, #tpu.memory_space<hbm>>
      %dma_start3A_50 = arith.constant 0 : i32
      %dma_start3A_51 = arith.constant 0 : i32
      %dma_start3A_52 = tpu.memref_slice %arg9[%dma_start3A_43, %dma_start3A_50, %dma_start3A_51] : memref<2x8x128xf32, #tpu.memory_space<vmem>> -> memref<1x8x128xf32, #tpu.memory_space<vmem>>
      %dma_start3A_53 = tpu.memref_squeeze %dma_start3A_52 : memref<1x8x128xf32, #tpu.memory_space<vmem>> -> memref<8x128xf32, #tpu.memory_space<vmem>>
      %dma_start3A_54 = arith.constant 0 : i32
      %dma_start3A_55 = tpu.memref_slice %arg5[%add3A_17, %dma_start3A_54] : memref<4096x128xf32, #tpu.memory_space<hbm>> -> memref<8x128xf32, #tpu.memory_space<hbm>>
      tpu.enqueue_dma source(%dma_start3A_55 : memref<8x128xf32, #tpu.memory_space<hbm>>) target(%dma_start3A_53 : memref<8x128xf32, #tpu.memory_space<vmem>>) target_semaphore(%arg22 : memref<!tpu.dma_semaphore, #tpu.memory_space<semaphore_mem>>)
      %mul3A_56 = arith.constant 256 : i32
      %mul3A_57 = arith.muli %arg1, %mul3A_56 : i32
      %dma_wait3A = arith.constant 0 : i32
      %dma_wait3A_58 = arith.constant 0 : i32
      %dma_wait3A_59 = arith.constant 0 : i32
      %dma_wait3A_60 = tpu.memref_slice %arg7[%dma_wait3A, %dma_wait3A_58, %dma_wait3A_59] : memref<2x8x128xi32, #tpu.memory_space<vmem>> -> memref<1x8x128xi32, #tpu.memory_space<vmem>>
      %dma_wait3A_61 = tpu.memref_squeeze %dma_wait3A_60 : memref<1x8x128xi32, #tpu.memory_space<vmem>> -> memref<8x128xi32, #tpu.memory_space<vmem>>
      %dma_wait3A_62 = arith.constant 0 : i32
      %dma_wait3A_63 = tpu.memref_slice %arg4[%mul3A_57, %dma_wait3A_62] : memref<4096x128xi32, #tpu.memory_space<hbm>> -> memref<8x128xi32, #tpu.memory_space<hbm>>
      %dma_wait3A_64 = arith.constant 0 : i32
      %dma_wait3A_65 = arith.constant 0 : i32
      %dma_wait3A_66 = tpu.memref_slice %arg7[%dma_wait3A, %dma_wait3A_64, %dma_wait3A_65] : memref<2x8x128xi32, #tpu.memory_space<vmem>> -> memref<1x8x128xi32, #tpu.memory_space<vmem>>
      %dma_wait3A_67 = tpu.memref_squeeze %dma_wait3A_66 : memref<1x8x128xi32, #tpu.memory_space<vmem>> -> memref<8x128xi32, #tpu.memory_space<vmem>>
      %dma_wait3A_68 = arith.constant 0 : i32
      %dma_wait3A_69 = tpu.memref_slice %arg4[%mul3A_57, %dma_wait3A_68] : memref<4096x128xi32, #tpu.memory_space<hbm>> -> memref<8x128xi32, #tpu.memory_space<hbm>>
      tpu.wait_dma2 semaphore(%arg22 : memref<!tpu.dma_semaphore, #tpu.memory_space<semaphore_mem>>) src(%dma_wait3A_69 : memref<8x128xi32, #tpu.memory_space<hbm>>) dst(%dma_wait3A_67 : memref<8x128xi32, #tpu.memory_space<vmem>>)
      %dma_wait3A_70 = arith.constant 0 : i32
      %dma_wait3A_71 = arith.constant 0 : i32
      %dma_wait3A_72 = arith.constant 0 : i32
      %dma_wait3A_73 = tpu.memref_slice %arg8[%dma_wait3A_70, %dma_wait3A_71, %dma_wait3A_72] : memref<2x8x128xi32, #tpu.memory_space<vmem>> -> memref<1x8x128xi32, #tpu.memory_space<vmem>>
      %dma_wait3A_74 = tpu.memref_squeeze %dma_wait3A_73 : memref<1x8x128xi32, #tpu.memory_space<vmem>> -> memref<8x128xi32, #tpu.memory_space<vmem>>
      %dma_wait3A_75 = arith.constant 0 : i32
      %dma_wait3A_76 = tpu.memref_slice %arg3[%mul3A_57, %dma_wait3A_75] : memref<4096x128xi32, #tpu.memory_space<hbm>> -> memref<8x128xi32, #tpu.memory_space<hbm>>
      %dma_wait3A_77 = arith.constant 0 : i32
      %dma_wait3A_78 = arith.constant 0 : i32
      %dma_wait3A_79 = tpu.memref_slice %arg8[%dma_wait3A_70, %dma_wait3A_77, %dma_wait3A_78] : memref<2x8x128xi32, #tpu.memory_space<vmem>> -> memref<1x8x128xi32, #tpu.memory_space<vmem>>
      %dma_wait3A_80 = tpu.memref_squeeze %dma_wait3A_79 : memref<1x8x128xi32, #tpu.memory_space<vmem>> -> memref<8x128xi32, #tpu.memory_space<vmem>>
      %dma_wait3A_81 = arith.constant 0 : i32
      %dma_wait3A_82 = tpu.memref_slice %arg3[%mul3A_57, %dma_wait3A_81] : memref<4096x128xi32, #tpu.memory_space<hbm>> -> memref<8x128xi32, #tpu.memory_space<hbm>>
      tpu.wait_dma2 semaphore(%arg22 : memref<!tpu.dma_semaphore, #tpu.memory_space<semaphore_mem>>) src(%dma_wait3A_82 : memref<8x128xi32, #tpu.memory_space<hbm>>) dst(%dma_wait3A_80 : memref<8x128xi32, #tpu.memory_space<vmem>>)
      %dma_wait3A_83 = arith.constant 0 : i32
      %dma_wait3A_84 = arith.constant 0 : i32
      %dma_wait3A_85 = arith.constant 0 : i32
      %dma_wait3A_86 = tpu.memref_slice %arg9[%dma_wait3A_83, %dma_wait3A_84, %dma_wait3A_85] : memref<2x8x128xf32, #tpu.memory_space<vmem>> -> memref<1x8x128xf32, #tpu.memory_space<vmem>>
      %dma_wait3A_87 = tpu.memref_squeeze %dma_wait3A_86 : memref<1x8x128xf32, #tpu.memory_space<vmem>> -> memref<8x128xf32, #tpu.memory_space<vmem>>
      %dma_wait3A_88 = arith.constant 0 : i32
      %dma_wait3A_89 = tpu.memref_slice %arg5[%mul3A_57, %dma_wait3A_88] : memref<4096x128xf32, #tpu.memory_space<hbm>> -> memref<8x128xf32, #tpu.memory_space<hbm>>
      %dma_wait3A_90 = arith.constant 0 : i32
      %dma_wait3A_91 = arith.constant 0 : i32
      %dma_wait3A_92 = tpu.memref_slice %arg9[%dma_wait3A_83, %dma_wait3A_90, %dma_wait3A_91] : memref<2x8x128xf32, #tpu.memory_space<vmem>> -> memref<1x8x128xf32, #tpu.memory_space<vmem>>
      %dma_wait3A_93 = tpu.memref_squeeze %dma_wait3A_92 : memref<1x8x128xf32, #tpu.memory_space<vmem>> -> memref<8x128xf32, #tpu.memory_space<vmem>>
      %dma_wait3A_94 = arith.constant 0 : i32
      %dma_wait3A_95 = tpu.memref_slice %arg5[%mul3A_57, %dma_wait3A_94] : memref<4096x128xf32, #tpu.memory_space<hbm>> -> memref<8x128xf32, #tpu.memory_space<hbm>>
      tpu.wait_dma2 semaphore(%arg22 : memref<!tpu.dma_semaphore, #tpu.memory_space<semaphore_mem>>) src(%dma_wait3A_95 : memref<8x128xf32, #tpu.memory_space<hbm>>) dst(%dma_wait3A_93 : memref<8x128xf32, #tpu.memory_space<vmem>>)
      %scan3A_96 = arith.constant 0 : i32
      %scan3A_97 = arith.constant 0 : i32
      %scan3A_98 = arith.constant 28 : i32
      %scan3A_99 = arith.addi %scan3A_97, %scan3A_98 : i32
      %scan3A_100 = arith.constant 1 : i32
      scf.for %scan3A_116 = %scan3A_97 to %scan3A_99 step %scan3A_100  : i32 {
        %mul3A_117 = arith.constant 3136 : i32
        %mul3A_118 = arith.muli %arg1, %mul3A_117 : i32
        %mul3A_119 = arith.constant 112 : i32
        %mul3A_120 = arith.muli %scan3A_116, %mul3A_119 : i32
        %add3A_121 = arith.addi %mul3A_118, %mul3A_120 : i32
        "tpu.region"() ({
          %run_scoped3A = tpu.sem_alloc : memref<!tpu.dma_semaphore, #tpu.memory_space<semaphore_mem>>
          %dma_start3A_122 = arith.constant 0 : i32
          %dma_start3A_123 = tpu.memref_slice %arg13[%add3A_121, %dma_start3A_122] : memref<50176x32xbf16, #tpu.memory_space<vmem_shared>> -> memref<112x32xbf16, #tpu.memory_space<vmem_shared>>
          %dma_start3A_124 = arith.constant 0 : i32
          %dma_start3A_125 = tpu.memref_slice %arg13[%add3A_121, %dma_start3A_124] : memref<50176x32xbf16, #tpu.memory_space<vmem_shared>> -> memref<112x32xbf16, #tpu.memory_space<vmem_shared>>
          tpu.enqueue_dma source(%arg12 : memref<112x32xbf16, #tpu.memory_space<vmem>>) target(%dma_start3A_125 : memref<112x32xbf16, #tpu.memory_space<vmem_shared>>) target_semaphore(%run_scoped3A : memref<!tpu.dma_semaphore, #tpu.memory_space<semaphore_mem>>)
          %dma_wait3A_126 = arith.constant 0 : i32
          %dma_wait3A_127 = tpu.memref_slice %arg13[%add3A_121, %dma_wait3A_126] : memref<50176x32xbf16, #tpu.memory_space<vmem_shared>> -> memref<112x32xbf16, #tpu.memory_space<vmem_shared>>
          %dma_wait3A_128 = arith.constant 0 : i32
          %dma_wait3A_129 = tpu.memref_slice %arg13[%add3A_121, %dma_wait3A_128] : memref<50176x32xbf16, #tpu.memory_space<vmem_shared>> -> memref<112x32xbf16, #tpu.memory_space<vmem_shared>>
          tpu.wait_dma2 semaphore(%run_scoped3A : memref<!tpu.dma_semaphore, #tpu.memory_space<semaphore_mem>>) src(%arg12 : memref<112x32xbf16, #tpu.memory_space<vmem>>) dst(%dma_wait3A_129 : memref<112x32xbf16, #tpu.memory_space<vmem_shared>>)
          tpu.yield
        }) : () -> ()
      }
      %scan3A_101 = arith.constant 28 : i32
      %barrier3A = arith.constant 0 : index
      tpu.barrier barrier_id(%barrier3A)
      %scan3A_102 = arith.constant 0 : i32
      %scan3A_103 = arith.constant 0 : i32
      %scan3A_104 = arith.constant 16 : i32
      %scan3A_105 = arith.addi %scan3A_103, %scan3A_104 : i32
      %scan3A_106 = arith.constant 1 : i32
      scf.for %scan3A_116 = %scan3A_103 to %scan3A_105 step %scan3A_106  : i32 {
        %ge3A = arith.constant 1 : i32
        %ge3A_117 = arith.cmpi sge, %scan3A_116, %ge3A : i32
        %convert_element_type3A = arith.extui %ge3A_117 : i1 to i32
        %cond3A = arith.constant 0 : i32
        %cond3A_118 = arith.cmpi ne, %convert_element_type3A, %cond3A : i32
        scf.if %cond3A_118 {
        } else {
        }
        %ge3A_119 = arith.constant 1 : i32
        %ge3A_120 = arith.cmpi sge, %scan3A_116, %ge3A_119 : i32
        %convert_element_type3A_121 = arith.extui %ge3A_120 : i1 to i32
        %cond3A_122 = arith.constant 0 : i32
        %cond3A_123 = arith.cmpi ne, %convert_element_type3A_121, %cond3A_122 : i32
        scf.if %cond3A_123 {
        } else {
        }
        %mul3A_124 = arith.constant 2 : i32
        %mul3A_125 = arith.muli %mul3A_124, %scan3A_116 : i32
        %add3A_126 = arith.constant 1 : i32
        %add3A_127 = arith.addi %mul3A_125, %add3A_126 : i32
        %mul3A_128 = arith.constant 256 : i32
        %mul3A_129 = arith.muli %arg1, %mul3A_128 : i32
        %mul3A_130 = arith.constant 8 : i32
        %mul3A_131 = arith.muli %add3A_127, %mul3A_130 : i32
        %add3A_132 = arith.addi %mul3A_129, %mul3A_131 : i32
        %dma_start3A_133 = arith.constant 1 : i32
        %dma_start3A_134 = arith.constant 0 : i32
        %dma_start3A_135 = arith.constant 0 : i32
        %dma_start3A_136 = tpu.memref_slice %arg7[%dma_start3A_133, %dma_start3A_134, %dma_start3A_135] : memref<2x8x128xi32, #tpu.memory_space<vmem>> -> memref<1x8x128xi32, #tpu.memory_space<vmem>>
        %dma_start3A_137 = tpu.memref_squeeze %dma_start3A_136 : memref<1x8x128xi32, #tpu.memory_space<vmem>> -> memref<8x128xi32, #tpu.memory_space<vmem>>
        %dma_start3A_138 = arith.constant 0 : i32
        %dma_start3A_139 = tpu.memref_slice %arg4[%add3A_132, %dma_start3A_138] : memref<4096x128xi32, #tpu.memory_space<hbm>> -> memref<8x128xi32, #tpu.memory_space<hbm>>
        %dma_start3A_140 = arith.constant 0 : i32
        %dma_start3A_141 = arith.constant 0 : i32
        %dma_start3A_142 = tpu.memref_slice %arg7[%dma_start3A_133, %dma_start3A_140, %dma_start3A_141] : memref<2x8x128xi32, #tpu.memory_space<vmem>> -> memref<1x8x128xi32, #tpu.memory_space<vmem>>
        %dma_start3A_143 = tpu.memref_squeeze %dma_start3A_142 : memref<1x8x128xi32, #tpu.memory_space<vmem>> -> memref<8x128xi32, #tpu.memory_space<vmem>>
        %dma_start3A_144 = arith.constant 0 : i32
        %dma_start3A_145 = tpu.memref_slice %arg4[%add3A_132, %dma_start3A_144] : memref<4096x128xi32, #tpu.memory_space<hbm>> -> memref<8x128xi32, #tpu.memory_space<hbm>>
        tpu.enqueue_dma source(%dma_start3A_145 : memref<8x128xi32, #tpu.memory_space<hbm>>) target(%dma_start3A_143 : memref<8x128xi32, #tpu.memory_space<vmem>>) target_semaphore(%arg23 : memref<!tpu.dma_semaphore, #tpu.memory_space<semaphore_mem>>)
        %dma_start3A_146 = arith.constant 1 : i32
        %dma_start3A_147 = arith.constant 0 : i32
        %dma_start3A_148 = arith.constant 0 : i32
        %dma_start3A_149 = tpu.memref_slice %arg8[%dma_start3A_146, %dma_start3A_147, %dma_start3A_148] : memref<2x8x128xi32, #tpu.memory_space<vmem>> -> memref<1x8x128xi32, #tpu.memory_space<vmem>>
        %dma_start3A_150 = tpu.memref_squeeze %dma_start3A_149 : memref<1x8x128xi32, #tpu.memory_space<vmem>> -> memref<8x128xi32, #tpu.memory_space<vmem>>
        %dma_start3A_151 = arith.constant 0 : i32
        %dma_start3A_152 = tpu.memref_slice %arg3[%add3A_132, %dma_start3A_151] : memref<4096x128xi32, #tpu.memory_space<hbm>> -> memref<8x128xi32, #tpu.memory_space<hbm>>
        %dma_start3A_153 = arith.constant 0 : i32
        %dma_start3A_154 = arith.constant 0 : i32
        %dma_start3A_155 = tpu.memref_slice %arg8[%dma_start3A_146, %dma_start3A_153, %dma_start3A_154] : memref<2x8x128xi32, #tpu.memory_space<vmem>> -> memref<1x8x128xi32, #tpu.memory_space<vmem>>
        %dma_start3A_156 = tpu.memref_squeeze %dma_start3A_155 : memref<1x8x128xi32, #tpu.memory_space<vmem>> -> memref<8x128xi32, #tpu.memory_space<vmem>>
        %dma_start3A_157 = arith.constant 0 : i32
        %dma_start3A_158 = tpu.memref_slice %arg3[%add3A_132, %dma_start3A_157] : memref<4096x128xi32, #tpu.memory_space<hbm>> -> memref<8x128xi32, #tpu.memory_space<hbm>>
        tpu.enqueue_dma source(%dma_start3A_158 : memref<8x128xi32, #tpu.memory_space<hbm>>) target(%dma_start3A_156 : memref<8x128xi32, #tpu.memory_space<vmem>>) target_semaphore(%arg23 : memref<!tpu.dma_semaphore, #tpu.memory_space<semaphore_mem>>)
        %dma_start3A_159 = arith.constant 1 : i32
        %dma_start3A_160 = arith.constant 0 : i32
        %dma_start3A_161 = arith.constant 0 : i32
        %dma_start3A_162 = tpu.memref_slice %arg9[%dma_start3A_159, %dma_start3A_160, %dma_start3A_161] : memref<2x8x128xf32, #tpu.memory_space<vmem>> -> memref<1x8x128xf32, #tpu.memory_space<vmem>>
        %dma_start3A_163 = tpu.memref_squeeze %dma_start3A_162 : memref<1x8x128xf32, #tpu.memory_space<vmem>> -> memref<8x128xf32, #tpu.memory_space<vmem>>
        %dma_start3A_164 = arith.constant 0 : i32
        %dma_start3A_165 = tpu.memref_slice %arg5[%add3A_132, %dma_start3A_164] : memref<4096x128xf32, #tpu.memory_space<hbm>> -> memref<8x128xf32, #tpu.memory_space<hbm>>
        %dma_start3A_166 = arith.constant 0 : i32
        %dma_start3A_167 = arith.constant 0 : i32
        %dma_start3A_168 = tpu.memref_slice %arg9[%dma_start3A_159, %dma_start3A_166, %dma_start3A_167] : memref<2x8x128xf32, #tpu.memory_space<vmem>> -> memref<1x8x128xf32, #tpu.memory_space<vmem>>
        %dma_start3A_169 = tpu.memref_squeeze %dma_start3A_168 : memref<1x8x128xf32, #tpu.memory_space<vmem>> -> memref<8x128xf32, #tpu.memory_space<vmem>>
        %dma_start3A_170 = arith.constant 0 : i32
        %dma_start3A_171 = tpu.memref_slice %arg5[%add3A_132, %dma_start3A_170] : memref<4096x128xf32, #tpu.memory_space<hbm>> -> memref<8x128xf32, #tpu.memory_space<hbm>>
        tpu.enqueue_dma source(%dma_start3A_171 : memref<8x128xf32, #tpu.memory_space<hbm>>) target(%dma_start3A_169 : memref<8x128xf32, #tpu.memory_space<vmem>>) target_semaphore(%arg23 : memref<!tpu.dma_semaphore, #tpu.memory_space<semaphore_mem>>)
        %mul3A_172 = arith.constant 256 : i32
        %mul3A_173 = arith.muli %arg1, %mul3A_172 : i32
        %dma_wait3A_174 = arith.constant 1 : i32
        %dma_wait3A_175 = arith.constant 0 : i32
        %dma_wait3A_176 = arith.constant 0 : i32
        %dma_wait3A_177 = tpu.memref_slice %arg7[%dma_wait3A_174, %dma_wait3A_175, %dma_wait3A_176] : memref<2x8x128xi32, #tpu.memory_space<vmem>> -> memref<1x8x128xi32, #tpu.memory_space<vmem>>
        %dma_wait3A_178 = tpu.memref_squeeze %dma_wait3A_177 : memref<1x8x128xi32, #tpu.memory_space<vmem>> -> memref<8x128xi32, #tpu.memory_space<vmem>>
        %dma_wait3A_179 = arith.constant 0 : i32
        %dma_wait3A_180 = tpu.memref_slice %arg4[%mul3A_173, %dma_wait3A_179] : memref<4096x128xi32, #tpu.memory_space<hbm>> -> memref<8x128xi32, #tpu.memory_space<hbm>>
        %dma_wait3A_181 = arith.constant 0 : i32
        %dma_wait3A_182 = arith.constant 0 : i32
        %dma_wait3A_183 = tpu.memref_slice %arg7[%dma_wait3A_174, %dma_wait3A_181, %dma_wait3A_182] : memref<2x8x128xi32, #tpu.memory_space<vmem>> -> memref<1x8x128xi32, #tpu.memory_space<vmem>>
        %dma_wait3A_184 = tpu.memref_squeeze %dma_wait3A_183 : memref<1x8x128xi32, #tpu.memory_space<vmem>> -> memref<8x128xi32, #tpu.memory_space<vmem>>
        %dma_wait3A_185 = arith.constant 0 : i32
        %dma_wait3A_186 = tpu.memref_slice %arg4[%mul3A_173, %dma_wait3A_185] : memref<4096x128xi32, #tpu.memory_space<hbm>> -> memref<8x128xi32, #tpu.memory_space<hbm>>
        tpu.wait_dma2 semaphore(%arg23 : memref<!tpu.dma_semaphore, #tpu.memory_space<semaphore_mem>>) src(%dma_wait3A_186 : memref<8x128xi32, #tpu.memory_space<hbm>>) dst(%dma_wait3A_184 : memref<8x128xi32, #tpu.memory_space<vmem>>)
        %dma_wait3A_187 = arith.constant 1 : i32
        %dma_wait3A_188 = arith.constant 0 : i32
        %dma_wait3A_189 = arith.constant 0 : i32
        %dma_wait3A_190 = tpu.memref_slice %arg8[%dma_wait3A_187, %dma_wait3A_188, %dma_wait3A_189] : memref<2x8x128xi32, #tpu.memory_space<vmem>> -> memref<1x8x128xi32, #tpu.memory_space<vmem>>
        %dma_wait3A_191 = tpu.memref_squeeze %dma_wait3A_190 : memref<1x8x128xi32, #tpu.memory_space<vmem>> -> memref<8x128xi32, #tpu.memory_space<vmem>>
        %dma_wait3A_192 = arith.constant 0 : i32
        %dma_wait3A_193 = tpu.memref_slice %arg3[%mul3A_173, %dma_wait3A_192] : memref<4096x128xi32, #tpu.memory_space<hbm>> -> memref<8x128xi32, #tpu.memory_space<hbm>>
        %dma_wait3A_194 = arith.constant 0 : i32
        %dma_wait3A_195 = arith.constant 0 : i32
        %dma_wait3A_196 = tpu.memref_slice %arg8[%dma_wait3A_187, %dma_wait3A_194, %dma_wait3A_195] : memref<2x8x128xi32, #tpu.memory_space<vmem>> -> memref<1x8x128xi32, #tpu.memory_space<vmem>>
        %dma_wait3A_197 = tpu.memref_squeeze %dma_wait3A_196 : memref<1x8x128xi32, #tpu.memory_space<vmem>> -> memref<8x128xi32, #tpu.memory_space<vmem>>
        %dma_wait3A_198 = arith.constant 0 : i32
        %dma_wait3A_199 = tpu.memref_slice %arg3[%mul3A_173, %dma_wait3A_198] : memref<4096x128xi32, #tpu.memory_space<hbm>> -> memref<8x128xi32, #tpu.memory_space<hbm>>
        tpu.wait_dma2 semaphore(%arg23 : memref<!tpu.dma_semaphore, #tpu.memory_space<semaphore_mem>>) src(%dma_wait3A_199 : memref<8x128xi32, #tpu.memory_space<hbm>>) dst(%dma_wait3A_197 : memref<8x128xi32, #tpu.memory_space<vmem>>)
        %dma_wait3A_200 = arith.constant 1 : i32
        %dma_wait3A_201 = arith.constant 0 : i32
        %dma_wait3A_202 = arith.constant 0 : i32
        %dma_wait3A_203 = tpu.memref_slice %arg9[%dma_wait3A_200, %dma_wait3A_201, %dma_wait3A_202] : memref<2x8x128xf32, #tpu.memory_space<vmem>> -> memref<1x8x128xf32, #tpu.memory_space<vmem>>
        %dma_wait3A_204 = tpu.memref_squeeze %dma_wait3A_203 : memref<1x8x128xf32, #tpu.memory_space<vmem>> -> memref<8x128xf32, #tpu.memory_space<vmem>>
        %dma_wait3A_205 = arith.constant 0 : i32
        %dma_wait3A_206 = tpu.memref_slice %arg5[%mul3A_173, %dma_wait3A_205] : memref<4096x128xf32, #tpu.memory_space<hbm>> -> memref<8x128xf32, #tpu.memory_space<hbm>>
        %dma_wait3A_207 = arith.constant 0 : i32
        %dma_wait3A_208 = arith.constant 0 : i32
        %dma_wait3A_209 = tpu.memref_slice %arg9[%dma_wait3A_200, %dma_wait3A_207, %dma_wait3A_208] : memref<2x8x128xf32, #tpu.memory_space<vmem>> -> memref<1x8x128xf32, #tpu.memory_space<vmem>>
        %dma_wait3A_210 = tpu.memref_squeeze %dma_wait3A_209 : memref<1x8x128xf32, #tpu.memory_space<vmem>> -> memref<8x128xf32, #tpu.memory_space<vmem>>
        %dma_wait3A_211 = arith.constant 0 : i32
        %dma_wait3A_212 = tpu.memref_slice %arg5[%mul3A_173, %dma_wait3A_211] : memref<4096x128xf32, #tpu.memory_space<hbm>> -> memref<8x128xf32, #tpu.memory_space<hbm>>
        tpu.wait_dma2 semaphore(%arg23 : memref<!tpu.dma_semaphore, #tpu.memory_space<semaphore_mem>>) src(%dma_wait3A_212 : memref<8x128xf32, #tpu.memory_space<hbm>>) dst(%dma_wait3A_210 : memref<8x128xf32, #tpu.memory_space<vmem>>)
        %lt3A = arith.constant 15 : i32
        %lt3A_213 = arith.cmpi slt, %scan3A_116, %lt3A : i32
        %convert_element_type3A_214 = arith.extui %lt3A_213 : i1 to i32
        %cond3A_215 = arith.constant 0 : i32
        %cond3A_216 = arith.cmpi ne, %convert_element_type3A_214, %cond3A_215 : i32
        scf.if %cond3A_216 {
          %mul3A_232 = arith.constant 2 : i32
          %mul3A_233 = arith.muli %mul3A_232, %scan3A_116 : i32
          %add3A_234 = arith.constant 2 : i32
          %add3A_235 = arith.addi %mul3A_233, %add3A_234 : i32
          %mul3A_236 = arith.constant 256 : i32
          %mul3A_237 = arith.muli %arg1, %mul3A_236 : i32
          %mul3A_238 = arith.constant 8 : i32
          %mul3A_239 = arith.muli %add3A_235, %mul3A_238 : i32
          %add3A_240 = arith.addi %mul3A_237, %mul3A_239 : i32
          %dma_start3A_241 = arith.constant 0 : i32
          %dma_start3A_242 = arith.constant 0 : i32
          %dma_start3A_243 = arith.constant 0 : i32
          %dma_start3A_244 = tpu.memref_slice %arg7[%dma_start3A_241, %dma_start3A_242, %dma_start3A_243] : memref<2x8x128xi32, #tpu.memory_space<vmem>> -> memref<1x8x128xi32, #tpu.memory_space<vmem>>
          %dma_start3A_245 = tpu.memref_squeeze %dma_start3A_244 : memref<1x8x128xi32, #tpu.memory_space<vmem>> -> memref<8x128xi32, #tpu.memory_space<vmem>>
          %dma_start3A_246 = arith.constant 0 : i32
          %dma_start3A_247 = tpu.memref_slice %arg4[%add3A_240, %dma_start3A_246] : memref<4096x128xi32, #tpu.memory_space<hbm>> -> memref<8x128xi32, #tpu.memory_space<hbm>>
          %dma_start3A_248 = arith.constant 0 : i32
          %dma_start3A_249 = arith.constant 0 : i32
          %dma_start3A_250 = tpu.memref_slice %arg7[%dma_start3A_241, %dma_start3A_248, %dma_start3A_249] : memref<2x8x128xi32, #tpu.memory_space<vmem>> -> memref<1x8x128xi32, #tpu.memory_space<vmem>>
          %dma_start3A_251 = tpu.memref_squeeze %dma_start3A_250 : memref<1x8x128xi32, #tpu.memory_space<vmem>> -> memref<8x128xi32, #tpu.memory_space<vmem>>
          %dma_start3A_252 = arith.constant 0 : i32
          %dma_start3A_253 = tpu.memref_slice %arg4[%add3A_240, %dma_start3A_252] : memref<4096x128xi32, #tpu.memory_space<hbm>> -> memref<8x128xi32, #tpu.memory_space<hbm>>
          tpu.enqueue_dma source(%dma_start3A_253 : memref<8x128xi32, #tpu.memory_space<hbm>>) target(%dma_start3A_251 : memref<8x128xi32, #tpu.memory_space<vmem>>) target_semaphore(%arg22 : memref<!tpu.dma_semaphore, #tpu.memory_space<semaphore_mem>>)
          %dma_start3A_254 = arith.constant 0 : i32
          %dma_start3A_255 = arith.constant 0 : i32
          %dma_start3A_256 = arith.constant 0 : i32
          %dma_start3A_257 = tpu.memref_slice %arg8[%dma_start3A_254, %dma_start3A_255, %dma_start3A_256] : memref<2x8x128xi32, #tpu.memory_space<vmem>> -> memref<1x8x128xi32, #tpu.memory_space<vmem>>
          %dma_start3A_258 = tpu.memref_squeeze %dma_start3A_257 : memref<1x8x128xi32, #tpu.memory_space<vmem>> -> memref<8x128xi32, #tpu.memory_space<vmem>>
          %dma_start3A_259 = arith.constant 0 : i32
          %dma_start3A_260 = tpu.memref_slice %arg3[%add3A_240, %dma_start3A_259] : memref<4096x128xi32, #tpu.memory_space<hbm>> -> memref<8x128xi32, #tpu.memory_space<hbm>>
          %dma_start3A_261 = arith.constant 0 : i32
          %dma_start3A_262 = arith.constant 0 : i32
          %dma_start3A_263 = tpu.memref_slice %arg8[%dma_start3A_254, %dma_start3A_261, %dma_start3A_262] : memref<2x8x128xi32, #tpu.memory_space<vmem>> -> memref<1x8x128xi32, #tpu.memory_space<vmem>>
          %dma_start3A_264 = tpu.memref_squeeze %dma_start3A_263 : memref<1x8x128xi32, #tpu.memory_space<vmem>> -> memref<8x128xi32, #tpu.memory_space<vmem>>
          %dma_start3A_265 = arith.constant 0 : i32
          %dma_start3A_266 = tpu.memref_slice %arg3[%add3A_240, %dma_start3A_265] : memref<4096x128xi32, #tpu.memory_space<hbm>> -> memref<8x128xi32, #tpu.memory_space<hbm>>
          tpu.enqueue_dma source(%dma_start3A_266 : memref<8x128xi32, #tpu.memory_space<hbm>>) target(%dma_start3A_264 : memref<8x128xi32, #tpu.memory_space<vmem>>) target_semaphore(%arg22 : memref<!tpu.dma_semaphore, #tpu.memory_space<semaphore_mem>>)
          %dma_start3A_267 = arith.constant 0 : i32
          %dma_start3A_268 = arith.constant 0 : i32
          %dma_start3A_269 = arith.constant 0 : i32
          %dma_start3A_270 = tpu.memref_slice %arg9[%dma_start3A_267, %dma_start3A_268, %dma_start3A_269] : memref<2x8x128xf32, #tpu.memory_space<vmem>> -> memref<1x8x128xf32, #tpu.memory_space<vmem>>
          %dma_start3A_271 = tpu.memref_squeeze %dma_start3A_270 : memref<1x8x128xf32, #tpu.memory_space<vmem>> -> memref<8x128xf32, #tpu.memory_space<vmem>>
          %dma_start3A_272 = arith.constant 0 : i32
          %dma_start3A_273 = tpu.memref_slice %arg5[%add3A_240, %dma_start3A_272] : memref<4096x128xf32, #tpu.memory_space<hbm>> -> memref<8x128xf32, #tpu.memory_space<hbm>>
          %dma_start3A_274 = arith.constant 0 : i32
          %dma_start3A_275 = arith.constant 0 : i32
          %dma_start3A_276 = tpu.memref_slice %arg9[%dma_start3A_267, %dma_start3A_274, %dma_start3A_275] : memref<2x8x128xf32, #tpu.memory_space<vmem>> -> memref<1x8x128xf32, #tpu.memory_space<vmem>>
          %dma_start3A_277 = tpu.memref_squeeze %dma_start3A_276 : memref<1x8x128xf32, #tpu.memory_space<vmem>> -> memref<8x128xf32, #tpu.memory_space<vmem>>
          %dma_start3A_278 = arith.constant 0 : i32
          %dma_start3A_279 = tpu.memref_slice %arg5[%add3A_240, %dma_start3A_278] : memref<4096x128xf32, #tpu.memory_space<hbm>> -> memref<8x128xf32, #tpu.memory_space<hbm>>
          tpu.enqueue_dma source(%dma_start3A_279 : memref<8x128xf32, #tpu.memory_space<hbm>>) target(%dma_start3A_277 : memref<8x128xf32, #tpu.memory_space<vmem>>) target_semaphore(%arg22 : memref<!tpu.dma_semaphore, #tpu.memory_space<semaphore_mem>>)
        } else {
        }
        %lt3A_217 = arith.constant 15 : i32
        %lt3A_218 = arith.cmpi slt, %scan3A_116, %lt3A_217 : i32
        %convert_element_type3A_219 = arith.extui %lt3A_218 : i1 to i32
        %cond3A_220 = arith.constant 0 : i32
        %cond3A_221 = arith.cmpi ne, %convert_element_type3A_219, %cond3A_220 : i32
        scf.if %cond3A_221 {
          %mul3A_232 = arith.constant 256 : i32
          %mul3A_233 = arith.muli %arg1, %mul3A_232 : i32
          %dma_wait3A_234 = arith.constant 0 : i32
          %dma_wait3A_235 = arith.constant 0 : i32
          %dma_wait3A_236 = arith.constant 0 : i32
          %dma_wait3A_237 = tpu.memref_slice %arg7[%dma_wait3A_234, %dma_wait3A_235, %dma_wait3A_236] : memref<2x8x128xi32, #tpu.memory_space<vmem>> -> memref<1x8x128xi32, #tpu.memory_space<vmem>>
          %dma_wait3A_238 = tpu.memref_squeeze %dma_wait3A_237 : memref<1x8x128xi32, #tpu.memory_space<vmem>> -> memref<8x128xi32, #tpu.memory_space<vmem>>
          %dma_wait3A_239 = arith.constant 0 : i32
          %dma_wait3A_240 = tpu.memref_slice %arg4[%mul3A_233, %dma_wait3A_239] : memref<4096x128xi32, #tpu.memory_space<hbm>> -> memref<8x128xi32, #tpu.memory_space<hbm>>
          %dma_wait3A_241 = arith.constant 0 : i32
          %dma_wait3A_242 = arith.constant 0 : i32
          %dma_wait3A_243 = tpu.memref_slice %arg7[%dma_wait3A_234, %dma_wait3A_241, %dma_wait3A_242] : memref<2x8x128xi32, #tpu.memory_space<vmem>> -> memref<1x8x128xi32, #tpu.memory_space<vmem>>
          %dma_wait3A_244 = tpu.memref_squeeze %dma_wait3A_243 : memref<1x8x128xi32, #tpu.memory_space<vmem>> -> memref<8x128xi32, #tpu.memory_space<vmem>>
          %dma_wait3A_245 = arith.constant 0 : i32
          %dma_wait3A_246 = tpu.memref_slice %arg4[%mul3A_233, %dma_wait3A_245] : memref<4096x128xi32, #tpu.memory_space<hbm>> -> memref<8x128xi32, #tpu.memory_space<hbm>>
          tpu.wait_dma2 semaphore(%arg22 : memref<!tpu.dma_semaphore, #tpu.memory_space<semaphore_mem>>) src(%dma_wait3A_246 : memref<8x128xi32, #tpu.memory_space<hbm>>) dst(%dma_wait3A_244 : memref<8x128xi32, #tpu.memory_space<vmem>>)
          %dma_wait3A_247 = arith.constant 0 : i32
          %dma_wait3A_248 = arith.constant 0 : i32
          %dma_wait3A_249 = arith.constant 0 : i32
          %dma_wait3A_250 = tpu.memref_slice %arg8[%dma_wait3A_247, %dma_wait3A_248, %dma_wait3A_249] : memref<2x8x128xi32, #tpu.memory_space<vmem>> -> memref<1x8x128xi32, #tpu.memory_space<vmem>>
          %dma_wait3A_251 = tpu.memref_squeeze %dma_wait3A_250 : memref<1x8x128xi32, #tpu.memory_space<vmem>> -> memref<8x128xi32, #tpu.memory_space<vmem>>
          %dma_wait3A_252 = arith.constant 0 : i32
          %dma_wait3A_253 = tpu.memref_slice %arg3[%mul3A_233, %dma_wait3A_252] : memref<4096x128xi32, #tpu.memory_space<hbm>> -> memref<8x128xi32, #tpu.memory_space<hbm>>
          %dma_wait3A_254 = arith.constant 0 : i32
          %dma_wait3A_255 = arith.constant 0 : i32
          %dma_wait3A_256 = tpu.memref_slice %arg8[%dma_wait3A_247, %dma_wait3A_254, %dma_wait3A_255] : memref<2x8x128xi32, #tpu.memory_space<vmem>> -> memref<1x8x128xi32, #tpu.memory_space<vmem>>
          %dma_wait3A_257 = tpu.memref_squeeze %dma_wait3A_256 : memref<1x8x128xi32, #tpu.memory_space<vmem>> -> memref<8x128xi32, #tpu.memory_space<vmem>>
          %dma_wait3A_258 = arith.constant 0 : i32
          %dma_wait3A_259 = tpu.memref_slice %arg3[%mul3A_233, %dma_wait3A_258] : memref<4096x128xi32, #tpu.memory_space<hbm>> -> memref<8x128xi32, #tpu.memory_space<hbm>>
          tpu.wait_dma2 semaphore(%arg22 : memref<!tpu.dma_semaphore, #tpu.memory_space<semaphore_mem>>) src(%dma_wait3A_259 : memref<8x128xi32, #tpu.memory_space<hbm>>) dst(%dma_wait3A_257 : memref<8x128xi32, #tpu.memory_space<vmem>>)
          %dma_wait3A_260 = arith.constant 0 : i32
          %dma_wait3A_261 = arith.constant 0 : i32
          %dma_wait3A_262 = arith.constant 0 : i32
          %dma_wait3A_263 = tpu.memref_slice %arg9[%dma_wait3A_260, %dma_wait3A_261, %dma_wait3A_262] : memref<2x8x128xf32, #tpu.memory_space<vmem>> -> memref<1x8x128xf32, #tpu.memory_space<vmem>>
          %dma_wait3A_264 = tpu.memref_squeeze %dma_wait3A_263 : memref<1x8x128xf32, #tpu.memory_space<vmem>> -> memref<8x128xf32, #tpu.memory_space<vmem>>
          %dma_wait3A_265 = arith.constant 0 : i32
          %dma_wait3A_266 = tpu.memref_slice %arg5[%mul3A_233, %dma_wait3A_265] : memref<4096x128xf32, #tpu.memory_space<hbm>> -> memref<8x128xf32, #tpu.memory_space<hbm>>
          %dma_wait3A_267 = arith.constant 0 : i32
          %dma_wait3A_268 = arith.constant 0 : i32
          %dma_wait3A_269 = tpu.memref_slice %arg9[%dma_wait3A_260, %dma_wait3A_267, %dma_wait3A_268] : memref<2x8x128xf32, #tpu.memory_space<vmem>> -> memref<1x8x128xf32, #tpu.memory_space<vmem>>
          %dma_wait3A_270 = tpu.memref_squeeze %dma_wait3A_269 : memref<1x8x128xf32, #tpu.memory_space<vmem>> -> memref<8x128xf32, #tpu.memory_space<vmem>>
          %dma_wait3A_271 = arith.constant 0 : i32
          %dma_wait3A_272 = tpu.memref_slice %arg5[%mul3A_233, %dma_wait3A_271] : memref<4096x128xf32, #tpu.memory_space<hbm>> -> memref<8x128xf32, #tpu.memory_space<hbm>>
          tpu.wait_dma2 semaphore(%arg22 : memref<!tpu.dma_semaphore, #tpu.memory_space<semaphore_mem>>) src(%dma_wait3A_272 : memref<8x128xf32, #tpu.memory_space<hbm>>) dst(%dma_wait3A_270 : memref<8x128xf32, #tpu.memory_space<vmem>>)
        } else {
        }
        %lt3A_222 = arith.constant 15 : i32
        %lt3A_223 = arith.cmpi slt, %scan3A_116, %lt3A_222 : i32
        %convert_element_type3A_224 = arith.extui %lt3A_223 : i1 to i32
        %cond3A_225 = arith.constant 0 : i32
        %cond3A_226 = arith.cmpi ne, %convert_element_type3A_224, %cond3A_225 : i32
        scf.if %cond3A_226 {
        } else {
        }
        %lt3A_227 = arith.constant 15 : i32
        %lt3A_228 = arith.cmpi slt, %scan3A_116, %lt3A_227 : i32
        %convert_element_type3A_229 = arith.extui %lt3A_228 : i1 to i32
        %cond3A_230 = arith.constant 0 : i32
        %cond3A_231 = arith.cmpi ne, %convert_element_type3A_229, %cond3A_230 : i32
        scf.if %cond3A_231 {
        } else {
        }
      }
      %scan3A_107 = arith.constant 16 : i32
      %barrier3A_108 = arith.constant 0 : index
      tpu.barrier barrier_id(%barrier3A_108)
      %scan3A_109 = arith.constant 0 : i32
      %scan3A_110 = arith.constant 0 : i32
      %scan3A_111 = arith.constant 28 : i32
      %scan3A_112 = arith.addi %scan3A_110, %scan3A_111 : i32
      %scan3A_113 = arith.constant 1 : i32
      scf.for %scan3A_116 = %scan3A_110 to %scan3A_112 step %scan3A_113  : i32 {
        %mul3A_117 = arith.constant 3136 : i32
        %mul3A_118 = arith.muli %arg1, %mul3A_117 : i32
        %mul3A_119 = arith.constant 112 : i32
        %mul3A_120 = arith.muli %scan3A_116, %mul3A_119 : i32
        %add3A_121 = arith.addi %mul3A_118, %mul3A_120 : i32
        %mul3A_122 = arith.constant 32 : i32
        %mul3A_123 = arith.muli %add3A, %mul3A_122 : i32
        "tpu.region"() ({
          %run_scoped3A = tpu.sem_alloc : memref<!tpu.dma_semaphore, #tpu.memory_space<semaphore_mem>>
          %dma_start3A_124 = tpu.memref_slice %arg6[%add3A_121, %mul3A_123] : memref<50176x128xbf16, #tpu.memory_space<hbm>> -> memref<112x32xbf16, #tpu.memory_space<hbm>>
          %dma_start3A_125 = arith.constant 0 : i32
          %dma_start3A_126 = tpu.memref_slice %arg13[%add3A_121, %dma_start3A_125] : memref<50176x32xbf16, #tpu.memory_space<vmem_shared>> -> memref<112x32xbf16, #tpu.memory_space<vmem_shared>>
          tpu.enqueue_dma source(%dma_start3A_126 : memref<112x32xbf16, #tpu.memory_space<vmem_shared>>) target(%dma_start3A_124 : memref<112x32xbf16, #tpu.memory_space<hbm>>) target_semaphore(%run_scoped3A : memref<!tpu.dma_semaphore, #tpu.memory_space<semaphore_mem>>)
          %dma_wait3A_127 = tpu.memref_slice %arg6[%add3A_121, %mul3A_123] : memref<50176x128xbf16, #tpu.memory_space<hbm>> -> memref<112x32xbf16, #tpu.memory_space<hbm>>
          %dma_wait3A_128 = arith.constant 0 : i32
          %dma_wait3A_129 = tpu.memref_slice %arg13[%add3A_121, %dma_wait3A_128] : memref<50176x32xbf16, #tpu.memory_space<vmem_shared>> -> memref<112x32xbf16, #tpu.memory_space<vmem_shared>>
          tpu.wait_dma2 semaphore(%run_scoped3A : memref<!tpu.dma_semaphore, #tpu.memory_space<semaphore_mem>>) src(%dma_wait3A_129 : memref<112x32xbf16, #tpu.memory_space<vmem_shared>>) dst(%dma_wait3A_127 : memref<112x32xbf16, #tpu.memory_space<hbm>>)
          tpu.yield
        }) : () -> ()
      }
      %scan3A_114 = arith.constant 28 : i32
      %barrier3A_115 = arith.constant 0 : index
      tpu.barrier barrier_id(%barrier3A_115)
    }
    %scan3A_11 = arith.constant 2 : i32
    return
  }
}

module attributes {stable_mosaic.version = 14 : i64} {
  func.func @_tc_body(%arg0: i32, %arg1: memref<2000x128xbf16, #tpu.memory_space<vmem>>, %arg2: memref<128x128xf32, #tpu.memory_space<vmem>>, %arg3: memref<1x128xf32, #tpu.memory_space<vmem>>, %arg4: memref<1x128xf32, #tpu.memory_space<vmem>>, %arg5: memref<1x128xf32, #tpu.memory_space<vmem>>, %arg6: memref<2000x128xf32, #tpu.memory_space<vmem>>) attributes {dimension_semantics = [#tpu.dimension_semantics<arbitrary>], iteration_bounds = array<i64: 25>, scalar_prefetch = 0 : i64, scratch_operands = 0 : i64, tpu.core_type = #tpu.core_type<tc>, window_params = [{transform_indices = @transform_0, window_bounds = array<i64: 2000, 128>}, {pipeline_mode = #tpu.pipeline_mode<synchronous>, transform_indices = @transform_1, window_bounds = array<i64: 128, 128>}, {pipeline_mode = #tpu.pipeline_mode<synchronous>, transform_indices = @transform_2, window_bounds = array<i64: 1, 128>}, {pipeline_mode = #tpu.pipeline_mode<synchronous>, transform_indices = @transform_3, window_bounds = array<i64: 1, 128>}, {pipeline_mode = #tpu.pipeline_mode<synchronous>, transform_indices = @transform_4, window_bounds = array<i64: 1, 128>}, {transform_indices = @transform_5, window_bounds = array<i64: 2000, 128>}]} {
    %get3A = arith.constant 0 : index
    %get3A_0 = arith.constant 0 : index
    %get3A_1 = vector.load %arg1[%get3A, %get3A_0] : memref<2000x128xbf16, #tpu.memory_space<vmem>>, vector<2000x128xbf16>
    %convert_element_type3A = arith.extf %get3A_1 : vector<2000x128xbf16> to vector<2000x128xf32>
    %get3A_2 = arith.constant 0 : index
    %get3A_3 = arith.constant 0 : index
    %get3A_4 = vector.load %arg2[%get3A_2, %get3A_3] : memref<128x128xf32, #tpu.memory_space<vmem>>, vector<128x128xf32>
    %dot_general3A = arith.constant dense<0.000000e+00> : vector<2000x128xf32>
    %dot_general3A_5 = tpu.matmul %convert_element_type3A, %get3A_4, %dot_general3A {dimension_numbers = #tpu.dot_dimension_numbers<[1], [0], [0], [1], [0, 0, 1, 1], [], []>, transpose_lhs_hint = false} : vector<2000x128xf32>, vector<128x128xf32>, vector<2000x128xf32> -> vector<2000x128xf32>
    %get3A_6 = arith.constant 0 : index
    %get3A_7 = arith.constant 0 : index
    %get3A_8 = vector.load %arg3[%get3A_6, %get3A_7] : memref<1x128xf32, #tpu.memory_space<vmem>>, vector<1x128xf32>
    %add3A = vector.broadcast %get3A_8 : vector<1x128xf32> to vector<2000x128xf32>
    %add3A_9 = arith.addf %dot_general3A_5, %add3A : vector<2000x128xf32>
    %reduce_sum3A = arith.constant dense<0.000000e+00> : vector<2000xf32>
    %reduce_sum3A_10 = vector.multi_reduction <add>, %add3A_9, %reduce_sum3A [1] : vector<2000x128xf32> to vector<2000xf32>
    %broadcast_in_dim3A = vector.shape_cast %reduce_sum3A_10 : vector<2000xf32> to vector<2000x1xf32>
    %div3A = arith.constant 1.280000e+02 : f32
    %div3A_11 = vector.broadcast %div3A : f32 to vector<2000x1xf32>
    %div3A_12 = arith.divf %broadcast_in_dim3A, %div3A_11 : vector<2000x1xf32>
    %sub3A = vector.broadcast %div3A_12 : vector<2000x1xf32> to vector<2000x128xf32>
    %sub3A_13 = arith.subf %add3A_9, %sub3A : vector<2000x128xf32>
    %mul3A = arith.mulf %sub3A_13, %sub3A_13 : vector<2000x128xf32>
    %reduce_sum3A_14 = arith.constant dense<0.000000e+00> : vector<2000xf32>
    %reduce_sum3A_15 = vector.multi_reduction <add>, %mul3A, %reduce_sum3A_14 [1] : vector<2000x128xf32> to vector<2000xf32>
    %broadcast_in_dim3A_16 = vector.shape_cast %reduce_sum3A_15 : vector<2000xf32> to vector<2000x1xf32>
    %div3A_17 = arith.constant 1.280000e+02 : f32
    %div3A_18 = vector.broadcast %div3A_17 : f32 to vector<2000x1xf32>
    %div3A_19 = arith.divf %broadcast_in_dim3A_16, %div3A_18 : vector<2000x1xf32>
    %add3A_20 = arith.constant 9.99999974E-6 : f32
    %add3A_21 = vector.broadcast %add3A_20 : f32 to vector<2000x1xf32>
    %add3A_22 = arith.addf %div3A_19, %add3A_21 : vector<2000x1xf32>
    %rsqrt3A = math.rsqrt %add3A_22 : vector<2000x1xf32>
    %mul3A_23 = vector.broadcast %rsqrt3A : vector<2000x1xf32> to vector<2000x128xf32>
    %mul3A_24 = arith.mulf %sub3A_13, %mul3A_23 : vector<2000x128xf32>
    %get3A_25 = arith.constant 0 : index
    %get3A_26 = arith.constant 0 : index
    %get3A_27 = vector.load %arg4[%get3A_25, %get3A_26] : memref<1x128xf32, #tpu.memory_space<vmem>>, vector<1x128xf32>
    %mul3A_28 = vector.broadcast %get3A_27 : vector<1x128xf32> to vector<2000x128xf32>
    %mul3A_29 = arith.mulf %mul3A_24, %mul3A_28 : vector<2000x128xf32>
    %get3A_30 = arith.constant 0 : index
    %get3A_31 = arith.constant 0 : index
    %get3A_32 = vector.load %arg5[%get3A_30, %get3A_31] : memref<1x128xf32, #tpu.memory_space<vmem>>, vector<1x128xf32>
    %add3A_33 = vector.broadcast %get3A_32 : vector<1x128xf32> to vector<2000x128xf32>
    %add3A_34 = arith.addf %mul3A_29, %add3A_33 : vector<2000x128xf32>
    %mul3A_35 = arith.constant 5.000000e-01 : f32
    %mul3A_36 = vector.broadcast %mul3A_35 : f32 to vector<2000x128xf32>
    %mul3A_37 = arith.mulf %add3A_34, %mul3A_36 : vector<2000x128xf32>
    %mul3A_38 = arith.constant 0.707106769 : f32
    %mul3A_39 = vector.broadcast %mul3A_38 : f32 to vector<2000x128xf32>
    %mul3A_40 = arith.mulf %add3A_34, %mul3A_39 : vector<2000x128xf32>
    %erf3A = math.erf %mul3A_40 : vector<2000x128xf32>
    %add3A_41 = arith.constant 1.000000e+00 : f32
    %add3A_42 = vector.broadcast %add3A_41 : f32 to vector<2000x128xf32>
    %add3A_43 = arith.addf %add3A_42, %erf3A : vector<2000x128xf32>
    %mul3A_44 = arith.mulf %mul3A_37, %add3A_43 : vector<2000x128xf32>
    %swap3A = arith.constant 0 : index
    %swap3A_45 = arith.constant 0 : index
    %swap3A_46 = vector.load %arg6[%swap3A, %swap3A_45] : memref<2000x128xf32, #tpu.memory_space<vmem>>, vector<2000x128xf32>
    tpu.vector_store %arg6[%swap3A, %swap3A_45], %mul3A_44 {strides = array<i32>} : memref<2000x128xf32, #tpu.memory_space<vmem>>, vector<2000x128xf32>,
    return
  }
  func.func @transform_0(%arg0: i32) -> (i32, i32) {
    %c0_i32 = arith.constant 0 : i32
    %c0_i32_0 = arith.constant 0 : i32
    return %arg0, %c0_i32 : i32, i32
  }
  func.func @transform_1(%arg0: i32) -> (i32, i32) {
    %c0_i32 = arith.constant 0 : i32
    %c0_i32_0 = arith.constant 0 : i32
    %c0_i32_1 = arith.constant 0 : i32
    return %c0_i32, %c0_i32_0 : i32, i32
  }
  func.func @transform_2(%arg0: i32) -> (i32, i32) {
    %c0_i32 = arith.constant 0 : i32
    %c0_i32_0 = arith.constant 0 : i32
    %c0_i32_1 = arith.constant 0 : i32
    return %c0_i32, %c0_i32_0 : i32, i32
  }
  func.func @transform_3(%arg0: i32) -> (i32, i32) {
    %c0_i32 = arith.constant 0 : i32
    %c0_i32_0 = arith.constant 0 : i32
    %c0_i32_1 = arith.constant 0 : i32
    return %c0_i32, %c0_i32_0 : i32, i32
  }
  func.func @transform_4(%arg0: i32) -> (i32, i32) {
    %c0_i32 = arith.constant 0 : i32
    %c0_i32_0 = arith.constant 0 : i32
    %c0_i32_1 = arith.constant 0 : i32
    return %c0_i32, %c0_i32_0 : i32, i32
  }
  func.func @transform_5(%arg0: i32) -> (i32, i32) {
    %c0_i32 = arith.constant 0 : i32
    %c0_i32_0 = arith.constant 0 : i32
    return %arg0, %c0_i32 : i32, i32
  }
}

</mosaic_0001>

<sc_bundles>
// kernel: kernel.4.cloned.1.call-start
scs
__scs_entry_jumppad:
0x0: {  	(pc) =	sbr.rel $0x88, $3  }
0x1: {  	(tag) =	ssettag $0x0;
	lr =	simm.s32 $0x1  }
0x2: {  	[smem:$0x3F99] =	sst lr;
	_ =	strace $0xD0000000  }
0x3: {  	_ = 	snop  }
0x4: {  	_ = 	snop  }
0x5: {  	_ = 	snop  }
0x6: {  	_ = 	snop  }
0x7: {  	_ = 	snop  }
__scs_overlays_trampoline_lowered:
0x8: {  	[smem:$0x3FA8] =	sst s0  }
0x9: {  	[smem:$0x3FA9] =	sst s1  }
0xa: {  	[smem:$0x3FAA] =	sst s2  }
0xb: {  	[smem:$0x3FAB] =	sst s3  }
0xc: {  	[smem:$0x3FAC] =	sst s4  }
0xd: {  	[smem:$0x3FAD] =	sst s5  }
0xe: {  	[smem:$0x3FAE] =	sst s6  }
0xf: {  	[smem:$0x3FAF] =	sst s7  }
0x10: {  	[smem:$0x3FB0] =	sst s8  }
0x11: {  	[smem:$0x3FB1] =	sst s9;
	s0 =	simm.s32 @!p0 $0x0  }
0x12: {  	s1 =	sld [smem:$0x3F97];
	s0 =	simm.s32 @p0 $0x1  }
0x13: {  	[smem:$0x3FB2] =	sst s0;
	s0 =	simm.s32 @!p1 $0x0  }
0x14: {  	s2 =	sld [smem:$0x3F96];
	s0 =	simm.s32 @p1 $0x1  }
0x15: {  	[smem:$0x3FB3] =	sst s0;
	s0 =	simm.s32 @!p2 $0x0  }
0x16: {  	s3 =	sld [smem:$0x3FDB];
	s0 =	simm.s32 @p2 $0x1  }
0x17: {  	s4 =	simm.s32 $0x1BF5;
	[smem:$0x3FB5] =	sst s0  }
0x18: {  	s0 =	sld [smem:$0x3F98];
	_ =	swait.ge [sflag:s4], $0x0  }
0x19: {  	s7 =	sld [smem:$0x3F99]  }
0x1a: {  	s8 =	sadd.s32 $0xFFFFE003, lr  }
0x1b: {  	s9 =	sadd.s32 $0xFFFFFEF7, lr;
	s5 =	simm.s32 $0xFFFFFFFF;
	p2 =	slt.u32 s8, $0xFFFFF086  }
0x1c: {  	p1 =	slt.u32 s9, $0xF7A;
	s5 =	simm.s32 @!p2 $0x0  }
0x1d: {  	s5 =	simm.s32 @p1 $0x1;
	p0 =	seq.s32 s7, s2  }
0x1e: {  	s7 =	smul.u32 @!p0 $0xF7A, s2;
	p2 =	seq.s32 @!p0 s5, $0x0  }
0x1f: {  	s9 =	smul.u32 $0xF7A, s1;
	s8 =	simm.s32 @!p0 $0x1BF5;
	p2 =	por !p2, p0  }
0x20: {  	[sflag:s8] =	ssyncset.s32 @!p0 $0xFFFFF086;
	s6 =	sadd.s32 @!p0 s3, s7;
	s7 =	simm.s32 @!p0 $0x108  }
0x21: {  	s3 =	sadd.s32 s3, s9;
	s6 =	sadd.s32 @!p0 $0x88, s6;
	s7 =	simm.s32 @p2 $0x1082  }
0x22: {  	[simem:s7], [sflag:s8] =	dma.local @!p0 [hbm:s6], $0xF7A  }
0x23: {  	s9 =	sor.u32 $0xD0000000, s2;
	s6 =	simm.s32 $0x108;
	_ =	swait.ge @!p0 [sflag:s8], $0x0  }
0x24: {  	s3 =	sadd.s32 $0x88, s3;
	s6 =	simm.s32 @!p1 $0x1082;
	[sflag:s4] =	ssyncset.s32 $0xFFFFF086  }
0x25: {  	[simem:s6], [sflag:s4] =	dma.local [hbm:s3], $0xF7A  }
0x26: {  	[smem:$0x3F99] =	sst s1;
	(tag) =	ssettag s2;
	_ =	strace s9  }
0x27: {  	s1 =	sld [smem:$0x3FA9]  }
0x28: {  	s2 =	sld [smem:$0x3FAA]  }
0x29: {  	s4 =	sld [smem:$0x3FAC]  }
0x2a: {  	p0 =	seq.s32 s5, $0x0;
	s5 =	sld [smem:$0x3FAD]  }
0x2b: {  	s6 =	sld [smem:$0x3FAE]  }
0x2c: {  	s7 =	sld [smem:$0x3FAF]  }
0x2d: {  	s3 =	simm.s32 $0x108;
	s8 =	sld [smem:$0x3FB0]  }
0x2e: {  	s3 =	simm.s32 @!p0 $0x1082;
	s9 =	sld [smem:$0x3FB1]  }
0x2f: {  	lr =	sadd.s32 s0, s3;
	s0 =	sld [smem:$0x3FA8]  }
0x30: {  	s3 =	sld [smem:$0x3FAB]  }
0x31: {  	[smem:$0x3FB4] =	sst s10  }
0x32: {  	s10 =	sld [smem:$0x3FB2];
	_ =	sdelay $0x3  }
0x33: {  	p0 =	seq.s32 s10, $0x1;
	s10 =	sld [smem:$0x3FB4];
	_ =	sdelay $0x3  }
0x34: {  	[smem:$0x3FB4] =	sst s10  }
0x35: {  	s10 =	sld [smem:$0x3FB3];
	_ =	sdelay $0x3  }
0x36: {  	p1 =	seq.s32 s10, $0x1;
	s10 =	sld [smem:$0x3FB4];
	_ =	sdelay $0x3  }
0x37: {  	[smem:$0x3FB4] =	sst s10  }
0x38: {  	s10 =	sld [smem:$0x3FB5]  }
0x39: {  	_ = 	snop;
	(pc) =	sbr.ind lr, $3  }
0x3a: {  	_ = 	snop  }
0x3b: {  	_ = 	snop  }
0x3c: {  	p2 =	seq.s32 s10, $0x1;
	s10 =	sld [smem:$0x3FB4]  }
0x3d: {  	_ =	shalt  }
0x3e: {  	_ =	shalt  }
0x3f: {  	_ =	shalt  }
0x40: {  	_ =	shalt  }
0x41: {  	_ =	shalt  }
0x42: {  	_ =	shalt  }
0x43: {  	_ =	shalt  }
0x44: {  	_ =	shalt  }
0x45: {  	_ =	shalt  }
0x46: {  	_ =	shalt  }
0x47: {  	_ =	shalt  }
0x48: {  	_ =	shalt  }
0x49: {  	_ =	shalt  }
0x4a: {  	_ =	shalt  }
0x4b: {  	_ =	shalt  }
0x4c: {  	_ =	shalt  }
0x4d: {  	_ =	shalt  }
0x4e: {  	_ =	shalt  }
0x4f: {  	_ =	shalt  }
0x50: {  	_ =	shalt  }
0x51: {  	_ =	shalt  }
0x52: {  	_ =	shalt  }
0x53: {  	_ =	shalt  }
0x54: {  	_ =	shalt  }
0x55: {  	_ =	shalt  }
0x56: {  	_ =	shalt  }
0x57: {  	_ =	shalt  }
0x58: {  	_ =	shalt  }
0x59: {  	_ =	shalt  }
0x5a: {  	_ =	shalt  }
0x5b: {  	_ =	shalt  }
0x5c: {  	_ =	shalt  }
0x5d: {  	_ =	shalt  }
0x5e: {  	_ =	shalt  }
0x5f: {  	_ =	shalt  }
0x60: {  	_ =	shalt  }
0x61: {  	_ =	shalt  }
0x62: {  	_ =	shalt  }
0x63: {  	_ =	shalt  }
0x64: {  	_ =	shalt  }
0x65: {  	_ =	shalt  }
0x66: {  	_ =	shalt  }
0x67: {  	_ =	shalt  }
0x68: {  	_ =	shalt  }
0x69: {  	_ =	shalt  }
0x6a: {  	_ =	shalt  }
0x6b: {  	_ =	shalt  }
0x6c: {  	_ =	shalt  }
0x6d: {  	_ =	shalt  }
0x6e: {  	_ =	shalt  }
0x6f: {  	_ =	shalt  }
0x70: {  	_ =	shalt  }
0x71: {  	_ =	shalt  }
0x72: {  	_ =	shalt  }
0x73: {  	_ =	shalt  }
0x74: {  	_ =	shalt  }
0x75: {  	_ =	shalt  }
0x76: {  	_ =	shalt  }
0x77: {  	_ =	shalt  }
0x78: {  	_ =	shalt  }
0x79: {  	_ =	shalt  }
0x7a: {  	_ =	shalt  }
0x7b: {  	_ =	shalt  }
0x7c: {  	_ =	shalt  }
0x7d: {  	_ =	shalt  }
0x7e: {  	_ =	shalt  }
0x7f: {  	_ =	shalt  }
0x80: {  	_ =	shalt  }
0x81: {  	_ =	shalt  }
0x82: {  	_ =	shalt  }
0x83: {  	_ =	shalt  }
0x84: {  	_ =	shalt  }
0x85: {  	_ =	shalt  }
0x86: {  	_ =	shalt  }
0x87: {  	_ =	shalt  }
.Lfunc_end0:
.L_simem_size_0:
called_computation.1_lowered:
.L_overlay_start_0:
0x88: {  	s2 =	sld [smem:$0x3FD9]  }
0x89: {  	s3 =	sld [smem:$0x3FFE];
	_ =	sdelay $0x1  }
0x8a: {  	s1 =	srdreg.scid  }
0x8b: {  	s0 =	sand.u32 $0x1, s1  }
0x8c: {  	s17 =	sshll.u32 s0, $0xA;
	s2 =	sadd.s32 s3, s2  }
0x8d: {  	s2 =	sadd.s32 s2, s17  }
0x8e: {  	[smem:$0x3FC0] =	sst s2  }
0x8f: {  	_ = 	snop  }
0x90: {  	s2 =	sld [smem:$0x3FD0];
	(tm) =	ssettm $0x1  }
0x91: {  	s18 =	sld [smem:$0x3FFB];
	_ =	sdelay $0x3  }
0x92: {  	_ =	strace s18  }
0x93: {  	s3 =	sld [smem:$0x3FFC];
	_ =	sdelay $0x3  }
0x94: {  	_ =	strace s3  }
0x95: {  	s3 =	sld [smem:$0x3FFD];
	_ =	sdelay $0x3  }
0x96: {  	_ =	strace s3  }
0x97: {  	_ =	strace $0x8FFFFFFF  }
0x98: {  	s19 =	sld [smem:$0x3FDB];
	_ =	sdelay $0x1  }
0x99: {  	s4 =	simm.s32 $_scs_section_size  }
0x9a: {  	s5 =	simm.s32 $_size__tile_overlayer_lowered;
	s6 =	simm.s32 $_tile_overlayer_lowered  }
0x9b: {  	s22 =	simm.s32 $0x1BFF;
	s21 =	sshll.u32 s6, $0x1;
	s3 =	sadd.s32 s4, s19  }
0x9c: {  	s7 =	simm.s32 $0x0;
	s20 =	sshll.u32 s5, $0x1;
	s5 =	sadd.s32 s21, s3  }
0x9d: {  	[timem:s7], [sflag:s22] =	dma.local [hbm:s5], s20  }
0x9e: {  	_ =	swait.ge [sflag:s22], s20  }
0x9f: {  	s4 =	ssub.s32 $0x0, s20;
	[sflag:s22] =	ssyncset.done $0x0  }
0xa0: {  	[sflag:s22] =	ssyncadd.s32 s4;
	_ =	sdelay $0x1  }
0xa1: {  	s23 =	simm.s32 $0x1B8B  }
0xa2: {  	_ =	swait.ge [sflag:s23], $0x1  }
0xa3: {  	[sflag:s23] =	ssyncset.done $0x0  }
0xa4: {  	s25 =	simm.s32 $0x1B8E;
	s24 =	sld [smem:$0x3FFE];
	[sflag:s23] =	ssyncadd.s32 $0xFFFFFFFF  }
0xa5: {  	s26 =	simm.s32 $execute0_lowered;
	[smem:$0x3FD2] =	sst s25  }
0xa6: {  	s5 =	sshll.u32 s26, $0x1;
	_ =	strace $0x80000049;
	[dreg:$0x1] =	wrdreg $0xFFFFFFFF  }
0xa7: {  	s28 =	simm.s32 $_size_execute0_lowered;
	s3 =	sadd.s32 s3, s5;
	[dreg:$0x0] =	wrdreg $0x0  }
0xa8: {  	s5 =	sshll.u32 s28, $0x1;
	[dreg:$0x2] =	wrdreg s3  }
0xa9: {  	[dreg:$0x3] =	wrdreg s5  }
0xaa: {  	[dreg:$0x4] =	wrdreg $0xC0  }
0xab: {  	_ =	task [dreg:s7], $0x5FFFF  }
0xac: {  	[dreg:$0x1] =	wrdreg $0xFFFFFFFF  }
0xad: {  	[dreg:$0x0] =	wrdreg $0x60  }
0xae: {  	[dreg:$0x2] =	wrdreg s24  }
0xaf: {  	[dreg:$0x3] =	wrdreg s2  }
0xb0: {  	[dreg:$0x4] =	wrdreg $0x1F000  }
0xb1: {  	[dreg:$0x5] =	wrdreg $0x9  }
0xb2: {  	_ =	task.clear_ibuf [dreg:s7], $0x6FFFF;
	_ =	strace $0x90000049  }
0xb3: {  	s29 =	simm.s32 $0x9;
	_ =	strace $0x8000004B  }
0xb4: {  	_ =	swait.ge [sflag:s29], $0x1  }
0xb5: {  	[sflag:s29] =	ssyncadd.s32 $0xFFFFFFFF  }
0xb6: {  	_ =	strace $0x9000004B  }
0xb7: {  	_ =	sfence  }
0xb8: {  	s30 =	sld [smem:$0x0];
	_ =	sdelay $0x2  }
0xb9: {  	s31 =	sshll.u32 s1, $0xD;
	s1 =	sshrl.u32 s1, $0x2  }
0xba: {  	s3 =	sand.u32 $0x4000, s31;
	s1 =	sadd.s32 s1, s30  }
0xbb: {  	s0 =	sor.u32 s3, s0;
	s1 =	sshll.u32 s1, $0x11  }
0xbc: {  	s0 =	sor.u32 s1, s0  }
0xbd: {  	s0 =	sadd.s32 $0x8F2B, s0  }
0xbe: {  	[sflag:s0] =	ssyncadd.remote.s32 $0x1  }
0xbf: {  	_ =	sfence.sel $0xFFFF  }
0xc0: {  	[dreg:$0x0] =	wrdreg $0xFFFFFFFF;
	(pc) =	sbr.abs _section_cstart, $3  }
0xc1: {  	[dreg:$0x1] =	wrdreg $0xFFFFFFFF  }
0xc2: {  	_ =	task.clear_ibuf [dreg:s7], $0x2FFFF;
	_ =	strace $0x9FFFFFFF  }
0xc3: {  	(tm) =	ssettm $0x7FFFFFFF  }
tec
execute0_lowered:
.L_overlay_start_1:
0x0: {  	(tag) =	ssettag $0x1  }
0x1: {  	s3 =	rddreg [dreg:$0x0]  }
0x2: {  	s11 =	rddreg [dreg:$0x1]  }
0x3: {  	s10 =	rddreg [dreg:$0x2];
	s1 =	simm.s32 $0x0  }
0x4: {  	s2 =	srdreg.scid;
	s16 =	simm.s32 $0x3;
	s17 =	simm.s32 $0x400  }
0x5: {  	s18 =	simm.s32 $0xC00;
	s19 =	simm.s32 $0x1400;
	s20 =	simm.s32 $0x2  }
0x6: {  	s21 =	simm.s32 $0x8;
	s22 =	simm.s32 $0x0;
	[smem:$0x7FF] =	sst s1  }
0x7: {  	s8 =	sadd.s32 $0x7B3000, s3;
	s6 =	sand.u32 $0x1, s2;
	s7 =	sadd.s32 $0x7A3000, s3  }
0x8: {  	s2 =	stileid.u32;
	s9 =	sadd.s32 $0x7C3000, s3;
	_ =	strace $0x8000004A  }
0x9: {  	s4 =	ssub.s32 $0x2, s6;
	s12 =	sshll.u32 s2, $0xC;
	s15 =	smul.u32 $0x31000, s2  }
0xa: {  	s14 =	sshll.u32 s6, $0x2;
	s31 =	smul.u32 $0x6200, s2;
	s30 =	sshrl.u32 s4, $0x1  }
0xb: {  	s3 =	sadd.s32 s7, s12;
	s5 =	sadd.s32 s9, s12;
	s13 =	ssub.s32 s4, s30  }
0xc: {  	s4 =	sadd.s32 s8, s12;
	s12 =	sor.u32 $0xF80, s12;
	s15 =	sshrl.u32 s15, $0x2  }
0xd: {  	s11 =	sadd.s32 s31, s11;
	s0 =	smax.u32 s13, $0x1;
	s7 =	sadd.s32 s7, s12  }
0xe: {  	s8 =	sadd.s32 s8, s12;
	s9 =	sadd.s32 s9, s12;
	s10 =	sadd.s32 s15, s10  }
0xf: {  	s11 =	sadd.s32 s14, s11;
	s12 =	simm.s32 $0x800;
	s13 =	simm.s32 $0x1000  }
0x10: {  	v0 =	vimm.bf16 $0.0e+00;
	s14 =	simm.s32 $0x1;
	s15 =	simm.s32 $0x1800;
	[dreg:$0x4] =	wrdreg s0  }
.LBB2_1:
0x11: {  	s23 =	simm.s32 $0x0  }
.LBB2_2:
0x12: {  	p0 =	sne.s32 s23, $0x1BC0  }
.Ltmp0:
0x13: {  	_ = 	snop;
	(pc) =	sbr.rel @p0 .LBB2_2-.Ltmp0, $3  }
0x14: {  	_ =	sdelay $0x1  }
0x15: {  	s24 =	sshra.s32 s23, $0x2  }
0x16: {  	s23 =	sadd.s32 $0x40, s23;
	[tilespmem:s24+$0x1800] =	vst v0  }
0x17: {  	s23 =	simm.s32 $0x0;
	p1 =	por $0x1, $0x1;
	s24 =	simm.s32 $0x0  }
.LBB2_4:
0x18: {  	[tilespmem:s23], [sflag:$0x1] =	stream.linear.gather [hbm4b:s3+s23], $0x400, $0x38;
	[tilespmem:$0xE300] =	vst v63  }
0x19: {  	_ = 	snop  }
0x1a: {  	[tilespmem:s12], [sflag:$0x1] =	stream.linear.gather [hbm4b:s4+s23], $0x400, $0x38;
	[tilespmem:$0xE300] =	vst v63  }
0x1b: {  	_ = 	snop  }
0x1c: {  	[tilespmem:s13], [sflag:$0x1] =	stream.linear.gather [hbm4b:s5+s23], $0x400, $0x38;
	[tilespmem:$0xE300] =	vst v63  }
0x1d: {  	_ =	swait.ge [sflag:s14], $0x400  }
0x1e: {  	[sflag:s14] =	ssyncset.done $0x0  }
0x1f: {  	[sflag:s14] =	ssyncadd.s32 $0xFFFFFC00  }
0x20: {  	_ =	swait.ge [sflag:s14], $0x400  }
0x21: {  	[sflag:s14] =	ssyncset.done $0x0  }
0x22: {  	[sflag:s14] =	ssyncadd.s32 $0xFFFFFC00  }
0x23: {  	_ =	swait.ge [sflag:s14], $0x400  }
0x24: {  	[sflag:s14] =	ssyncset.done $0x0  }
0x25: {  	s25 =	sadd.s32 $0x0, s10;
	[sflag:s14] =	ssyncadd.s32 $0xFFFFFC00  }
0x26: {  	[spmem:s25] =	stream.linear.scatter [tilespmem:s15], [sflag:$0x3], $0x700, $0x38;
	[tilespmem:$0xE300] =	vst v63  }
0x27: {  	p0 =	por p1, p1;
	s25 =	simm.s32 $0x1C00;
	_ =	swait.ge [sflag:s16], $0x700  }
.LBB2_5:
0x28: {  	s26 =	sshra.s32 s25, $0x2;
	[sflag:s16] =	ssyncset.done $0x0;
	p1 =	sne.s32 s25, $0x2F400  }
.Ltmp1:
0x29: {  	s26 =	sadd.s32 s26, s10;
	[sflag:s16] =	ssyncadd.s32 $0xFFFFF900;
	(pc) =	sbr.rel @p1 .LBB2_5-.Ltmp1, $3  }
0x2a: {  	[spmem:s26] =	stream.linear.scatter [tilespmem:s15], [sflag:$0x3], $0x700, $0x38;
	[tilespmem:$0xE300] =	vst v63  }
0x2b: {  	s25 =	sadd.s32 $0x1C00, s25;
	_ =	sdelay $0x1  }
0x2c: {  	_ =	swait.ge [sflag:s16], $0x700  }
0x2d: {  	[sflag:s16] =	ssyncset.done $0x0  }
0x2e: {  	s25 =	sadd.s32 $0x0, s3;
	[sflag:s16] =	ssyncadd.s32 $0xFFFFF900  }
0x2f: {  	s28 =	sadd.s32 $0x0, s4;
	s26 =	sadd.s32 $0x80, s25;
	[bflag:$0x0] =	sbarrier.arrive $0xFFFF  }
0x30: {  	[tilespmem:s17], [sflag:$0x2] =	stream.linear.gather [hbm4b:s26+s1], $0x400, $0x38;
	[tilespmem:$0xE300] =	vst v63  }
0x31: {  	s29 =	sadd.s32 $0x0, s5;
	s0 =	sadd.s32 $0x80, s28  }
0x32: {  	[tilespmem:s18], [sflag:$0x2] =	stream.linear.gather [hbm4b:s0+s1], $0x400, $0x38;
	[tilespmem:$0xE300] =	vst v63  }
0x33: {  	s6 =	sadd.s32 $0x80, s29  }
0x34: {  	[tilespmem:s19], [sflag:$0x2] =	stream.linear.gather [hbm4b:s6+s1], $0x400, $0x38;
	[tilespmem:$0xE300] =	vst v63  }
0x35: {  	_ =	swait.ge [sflag:s20], $0x400  }
0x36: {  	[sflag:s20] =	ssyncset.done $0x0  }
0x37: {  	[sflag:s20] =	ssyncadd.s32 $0xFFFFFC00  }
0x38: {  	_ =	swait.ge [sflag:s20], $0x400  }
0x39: {  	[sflag:s20] =	ssyncset.done $0x0  }
0x3a: {  	[sflag:s20] =	ssyncadd.s32 $0xFFFFFC00  }
0x3b: {  	_ =	swait.ge [sflag:s20], $0x400  }
0x3c: {  	[sflag:s20] =	ssyncset.done $0x0  }
0x3d: {  	s25 =	sadd.s32 $0x100, s25;
	[sflag:s20] =	ssyncadd.s32 $0xFFFFFC00  }
0x3e: {  	[tilespmem:s1], [sflag:$0x1] =	stream.linear.gather [hbm4b:s25+s1], $0x400, $0x38;
	[tilespmem:$0xE300] =	vst v63  }
0x3f: {  	s30 =	sadd.s32 $0x100, s28  }
0x40: {  	[tilespmem:s12], [sflag:$0x1] =	stream.linear.gather [hbm4b:s30+s1], $0x400, $0x38;
	[tilespmem:$0xE300] =	vst v63  }
0x41: {  	s31 =	sadd.s32 $0x100, s29  }
0x42: {  	[tilespmem:s13], [sflag:$0x1] =	stream.linear.gather [hbm4b:s31+s1], $0x400, $0x38;
	[tilespmem:$0xE300] =	vst v63  }
0x43: {  	_ =	swait.ge [sflag:s14], $0x400  }
0x44: {  	[sflag:s14] =	ssyncset.done $0x0  }
0x45: {  	[sflag:s14] =	ssyncadd.s32 $0xFFFFFC00  }
0x46: {  	_ =	swait.ge [sflag:s14], $0x400  }
0x47: {  	[sflag:s14] =	ssyncset.done $0x0  }
0x48: {  	[sflag:s14] =	ssyncadd.s32 $0xFFFFFC00  }
0x49: {  	s28 =	simm.s32 $0x200;
	_ =	swait.ge [sflag:s14], $0x400  }
0x4a: {  	s26 =	sadd.s32 $0x100, s3;
	s25 =	simm.s32 $0x100;
	[sflag:s14] =	ssyncset.done $0x0  }
.LBB2_7:
0x4b: {  	s29 =	sadd.s32 $0x80, s26  }
0x4c: {  	s30 =	sadd.s32 s25, s4;
	[sflag:s14] =	ssyncadd.s32 $0xFFFFFC00;
	s31 =	smov.u32 s28  }
0x4d: {  	[tilespmem:s17], [sflag:$0x2] =	stream.linear.gather [hbm4b:s29+s1], $0x400, $0x38;
	[tilespmem:$0xE300] =	vst v63  }
0x4e: {  	s6 =	sadd.s32 s25, s5;
	s29 =	sadd.s32 $0x100, s28;
	s0 =	sadd.s32 $0x80, s30  }
0x4f: {  	[tilespmem:s18], [sflag:$0x2] =	stream.linear.gather [hbm4b:s0+s1], $0x400, $0x38;
	[tilespmem:$0xE300] =	vst v63  }
0x50: {  	p1 =	sne.s32 s28, $0xE00;
	s25 =	smov.u32 s31;
	s0 =	sadd.s32 $0x80, s6  }
0x51: {  	[tilespmem:s19], [sflag:$0x2] =	stream.linear.gather [hbm4b:s0+s1], $0x400, $0x38;
	[tilespmem:$0xE300] =	vst v63  }
0x52: {  	_ =	swait.ge [sflag:s20], $0x400  }
0x53: {  	[sflag:s20] =	ssyncset.done $0x0  }
0x54: {  	[sflag:s20] =	ssyncadd.s32 $0xFFFFFC00  }
0x55: {  	_ =	swait.ge [sflag:s20], $0x400  }
0x56: {  	[sflag:s20] =	ssyncset.done $0x0  }
0x57: {  	[sflag:s20] =	ssyncadd.s32 $0xFFFFFC00  }
0x58: {  	_ =	swait.ge [sflag:s20], $0x400  }
0x59: {  	[sflag:s20] =	ssyncset.done $0x0  }
0x5a: {  	s0 =	sadd.s32 $0x100, s26;
	[sflag:s20] =	ssyncadd.s32 $0xFFFFFC00  }
0x5b: {  	[tilespmem:s1], [sflag:$0x1] =	stream.linear.gather [hbm4b:s0+s1], $0x400, $0x38;
	[tilespmem:$0xE300] =	vst v63  }
0x5c: {  	s0 =	sadd.s32 $0x100, s30  }
0x5d: {  	[tilespmem:s12], [sflag:$0x1] =	stream.linear.gather [hbm4b:s0+s1], $0x400, $0x38;
	[tilespmem:$0xE300] =	vst v63  }
0x5e: {  	s0 =	sadd.s32 $0x100, s6  }
0x5f: {  	[tilespmem:s13], [sflag:$0x1] =	stream.linear.gather [hbm4b:s0+s1], $0x400, $0x38;
	[tilespmem:$0xE300] =	vst v63  }
0x60: {  	_ =	swait.ge [sflag:s14], $0x400  }
0x61: {  	[sflag:s14] =	ssyncset.done $0x0  }
0x62: {  	[sflag:s14] =	ssyncadd.s32 $0xFFFFFC00  }
.Ltmp2:
0x63: {  	_ =	swait.ge [sflag:s14], $0x400;
	(pc) =	sbr.rel @p1 .LBB2_7-.Ltmp2, $4  }
0x64: {  	[sflag:s14] =	ssyncset.done $0x0  }
0x65: {  	[sflag:s14] =	ssyncadd.s32 $0xFFFFFC00  }
0x66: {  	_ =	swait.ge [sflag:s14], $0x400  }
0x67: {  	s28 =	smov.u32 s29;
	s26 =	sadd.s32 s25, s3;
	[sflag:s14] =	ssyncset.done $0x0  }
0x68: {  	s0 =	sadd.s32 $0x80, s26;
	s6 =	sadd.s32 s25, s4;
	[sflag:s14] =	ssyncadd.s32 $0xFFFFFC00  }
0x69: {  	[tilespmem:s17], [sflag:$0x2] =	stream.linear.gather [hbm4b:s0+s1], $0x400, $0x38;
	[tilespmem:$0xE300] =	vst v63  }
0x6a: {  	s29 =	sadd.s32 s25, s5;
	s31 =	sadd.s32 $0x80, s6  }
0x6b: {  	[tilespmem:s18], [sflag:$0x2] =	stream.linear.gather [hbm4b:s31+s1], $0x400, $0x38;
	[tilespmem:$0xE300] =	vst v63  }
0x6c: {  	s30 =	sadd.s32 $0x80, s29  }
0x6d: {  	[tilespmem:s19], [sflag:$0x2] =	stream.linear.gather [hbm4b:s30+s1], $0x400, $0x38;
	[tilespmem:$0xE300] =	vst v63  }
0x6e: {  	_ =	swait.ge [sflag:s20], $0x400  }
0x6f: {  	[sflag:s20] =	ssyncset.done $0x0  }
0x70: {  	[sflag:s20] =	ssyncadd.s32 $0xFFFFFC00  }
0x71: {  	_ =	swait.ge [sflag:s20], $0x400  }
0x72: {  	[sflag:s20] =	ssyncset.done $0x0  }
0x73: {  	[sflag:s20] =	ssyncadd.s32 $0xFFFFFC00  }
0x74: {  	_ =	swait.ge [sflag:s20], $0x400  }
0x75: {  	[sflag:s20] =	ssyncset.done $0x0  }
0x76: {  	s31 =	sadd.s32 $0x100, s26;
	[sflag:s20] =	ssyncadd.s32 $0xFFFFFC00  }
0x77: {  	[tilespmem:s1], [sflag:$0x1] =	stream.linear.gather [hbm4b:s31+s1], $0x400, $0x38;
	[tilespmem:$0xE300] =	vst v63  }
0x78: {  	s6 =	sadd.s32 $0x100, s6  }
0x79: {  	[tilespmem:s12], [sflag:$0x1] =	stream.linear.gather [hbm4b:s6+s1], $0x400, $0x38;
	[tilespmem:$0xE300] =	vst v63  }
0x7a: {  	s25 =	sadd.s32 $0x100, s29  }
0x7b: {  	[tilespmem:s13], [sflag:$0x1] =	stream.linear.gather [hbm4b:s25+s1], $0x400, $0x38;
	[tilespmem:$0xE300] =	vst v63  }
0x7c: {  	_ =	swait.ge [sflag:s14], $0x400  }
0x7d: {  	[sflag:s14] =	ssyncset.done $0x0  }
0x7e: {  	[sflag:s14] =	ssyncadd.s32 $0xFFFFFC00  }
0x7f: {  	_ =	swait.ge [sflag:s14], $0x400  }
0x80: {  	[sflag:s14] =	ssyncset.done $0x0  }
0x81: {  	[sflag:s14] =	ssyncadd.s32 $0xFFFFFC00  }
0x82: {  	_ =	swait.ge [sflag:s14], $0x400  }
0x83: {  	[sflag:s14] =	ssyncset.done $0x0  }
0x84: {  	s26 =	simm.s32 $0x0;
	[sflag:s14] =	ssyncadd.s32 $0xFFFFFC00  }
0x85: {  	[tilespmem:s17], [sflag:$0x2] =	stream.linear.gather [hbm4b:s7+s26], $0x400, $0x38;
	[tilespmem:$0xE300] =	vst v63  }
0x86: {  	_ = 	snop  }
0x87: {  	[tilespmem:s18], [sflag:$0x2] =	stream.linear.gather [hbm4b:s8+s26], $0x400, $0x38;
	[tilespmem:$0xE300] =	vst v63  }
0x88: {  	_ = 	snop  }
0x89: {  	[tilespmem:s19], [sflag:$0x2] =	stream.linear.gather [hbm4b:s9+s26], $0x400, $0x38;
	[tilespmem:$0xE300] =	vst v63  }
0x8a: {  	_ =	swait.ge [sflag:s20], $0x400  }
0x8b: {  	[sflag:s20] =	ssyncset.done $0x0  }
0x8c: {  	[sflag:s20] =	ssyncadd.s32 $0xFFFFFC00  }
0x8d: {  	_ =	swait.ge [sflag:s20], $0x400  }
0x8e: {  	[sflag:s20] =	ssyncset.done $0x0  }
0x8f: {  	[sflag:s20] =	ssyncadd.s32 $0xFFFFFC00  }
0x90: {  	_ =	swait.ge [sflag:s20], $0x400  }
0x91: {  	s24 =	sadd.s32 s24, s11;
	[sflag:s20] =	ssyncset.done $0x0  }
0x92: {  	s29 =	sshll.u32 s2, $0x6;
	s30 =	sadd.s32 $0x0, s24;
	[sflag:s20] =	ssyncadd.s32 $0xFFFFFC00  }
0x93: {  	s31 =	sshrl.u32 s10, $0x3;
	s25 =	sor.u32 $0x1C03, s29;
	[bflag:$0x0] =	sbarrier.arrive $0xFFFF  }
0x94: {  	[hbm:s30@s21], [sflag:s25] =	dma.strided [spmem:s31@s20], $0xE0, s14, $0x2   }
0x95: {  	s28 =	sadd.s32 $0x700, s10;
	s26 =	simm.s32 $0x380;
	_ =	swait.ge [sflag:s16], $0xE0  }
.LBB2_9:
0x96: {  	s0 =	sadd.s32 s26, s24;
	[sflag:s16] =	ssyncset.done $0x0;
	p1 =	sne.s32 s26, $0x5E80  }
.Ltmp3:
0x97: {  	s6 =	sshrl.u32 s28, $0x3;
	[sflag:s16] =	ssyncadd.s32 $0xFFFFFF20;
	(pc) =	sbr.rel @p1 .LBB2_9-.Ltmp3, $3  }
0x98: {  	[hbm:s0@s21], [sflag:s25] =	dma.strided [spmem:s6@s20], $0xE0, s14, $0x2   }
0x99: {  	s26 =	sadd.s32 $0x380, s26;
	_ =	sdelay $0x1  }
0x9a: {  	s28 =	sadd.s32 $0x700, s28;
	_ =	swait.ge [sflag:s16], $0xE0  }
.Ltmp4:
0x9b: {  	(pc) =	sbr.rel @p0 .LBB2_4-.Ltmp4, $4  }
0x9c: {  	[sflag:s16] =	ssyncset.done $0x0  }
0x9d: {  	[sflag:s16] =	ssyncadd.s32 $0xFFFFFF20  }
0x9e: {  	[bflag:$0x0] =	sbarrier.arrive $0xFFFF  }
0x9f: {  	s24 =	simm.s32 $0x2;
	p1 =	por $0x0, $0x0  }
0xa0: {  	s22 =	sadd.s32 $0x1, s22;
	s0 =	rddreg [dreg:$0x4]  }
0xa1: {  	p0 =	sne.s32 s22, s0  }
.Ltmp5:
0xa2: {  	_ = 	snop;
	(pc) =	sbr.rel @p0 .LBB2_1-.Ltmp5, $1  }
0xa3: {  	_ =	sdelay $0x3  }
0xa4: {  	_ =	sfence.sel $0x180000  }
0xa5: {  	[bflag:$0x0] =	sbarrier.arrive $0xFFFF  }
0xa6: {  	_ =	strace $0x9000004A  }
0xa7: {  	[bflag:$0x2] =	sbarrier.arrive $0xFFFF  }
0xa8: {  	p0 =	sne.s32 s2, $0x0;
	s0 =	rddreg [dreg:$0x3]  }
0xa9: {  	s0 =	sadd.s32 @!p0 $0x100000, s0  }
0xaa: {  	[sflag:s0] =	ssyncadd.tile.s32 @!p0 $0x1;
	_ =	shalt  }
.Lfunc_end2:
_tile_overlayer_lowered:
.L_overlay_start_2:
0xab: {  	(tag) =	ssettag $0x2  }
0xac: {  	s0 =	rddreg [dreg:$0x0];
	s2 =	stileid.u32  }
0xad: {  	s1 =	rddreg [dreg:$0x1];
	p0 =	sne.s32 s2, $0x0  }
0xae: {  	s3 =	rddreg [dreg:$0x2];
	[bflag:$0x3] =	sbarrier.arrive $0xFFFF;
	s2 =	simm.s32 @!p0 $0x1C03  }
0xaf: {  	[timem:s3], [sflag:s2] =	dma.local @!p0 [hbm:s0], s1  }
0xb0: {  	s0 =	simm.s32 @!p0 $0x3  }
0xb1: {  	_ =	swait.ge @!p0 [sflag:s0], s1  }
0xb2: {  	s1 =	ssub.s32 @!p0 $0x0, s1;
	[sflag:s0] =	ssyncset.done @!p0 $0x0  }
0xb3: {  	[sflag:s0] =	ssyncadd.s32 @!p0 s1  }
0xb4: {  	[bflag:$0x3] =	sbarrier.arrive $0xFFFF  }
0xb5: {  	_ =	shalt  }

// kernel: sparse-core-data-format-call.cloned.1.call-start
scs
called_computation_lowered:
.L_overlay_start_0:
0x0: {  	s1 =	sld [smem:$0x3FD9]  }
0x1: {  	s2 =	sld [smem:$0x3FFE];
	_ =	sdelay $0x1  }
0x2: {  	s3 =	srdreg.scid  }
0x3: {  	s0 =	sand.u32 $0x1, s3  }
0x4: {  	s17 =	sshll.u32 s0, $0xA;
	s1 =	sadd.s32 s2, s1  }
0x5: {  	s1 =	sadd.s32 s1, s17  }
0x6: {  	[smem:$0x3FC0] =	sst s1  }
0x7: {  	_ = 	snop  }
0x8: {  	(tm) =	ssettm $0x1  }
0x9: {  	s18 =	sld [smem:$0x3FFB];
	_ =	sdelay $0x3  }
0xa: {  	_ =	strace s18  }
0xb: {  	s1 =	sld [smem:$0x3FFC];
	_ =	sdelay $0x3  }
0xc: {  	_ =	strace s1  }
0xd: {  	s1 =	sld [smem:$0x3FFD];
	_ =	sdelay $0x3  }
0xe: {  	_ =	strace s1  }
0xf: {  	_ =	strace $0x8FFFFFFF  }
0x10: {  	s19 =	sld [smem:$0x3FDB];
	_ =	sdelay $0x1  }
0x11: {  	s20 =	simm.s32 $_scs_section_size  }
0x12: {  	s4 =	simm.s32 $_size__tile_overlayer_lowered;
	s5 =	simm.s32 $_tile_overlayer_lowered  }
0x13: {  	s23 =	simm.s32 $0x1BFF;
	s22 =	sshll.u32 s5, $0x1;
	s1 =	sadd.s32 s20, s19  }
0x14: {  	s6 =	simm.s32 $0x0;
	s21 =	sshll.u32 s4, $0x1;
	s4 =	sadd.s32 s22, s1  }
0x15: {  	[timem:s6], [sflag:s23] =	dma.local [hbm:s4], s21  }
0x16: {  	_ =	swait.ge [sflag:s23], s21  }
0x17: {  	s2 =	ssub.s32 $0x0, s21;
	[sflag:s23] =	ssyncset.done $0x0  }
0x18: {  	[sflag:s23] =	ssyncadd.s32 s2;
	_ =	sdelay $0x1  }
0x19: {  	s24 =	simm.s32 $0x1B8B  }
0x1a: {  	_ =	swait.ge [sflag:s24], $0x1  }
0x1b: {  	[sflag:s24] =	ssyncset.done $0x0  }
0x1c: {  	s26 =	simm.s32 $0x1B8E;
	s25 =	sld [smem:$0x3FFE];
	[sflag:s24] =	ssyncadd.s32 $0xFFFFFFFF  }
0x1d: {  	s27 =	simm.s32 $execute0_lowered;
	[smem:$0x3FD2] =	sst s26  }
0x1e: {  	s4 =	sshll.u32 s27, $0x1;
	_ =	strace $0x80000046;
	[dreg:$0x1] =	wrdreg $0xFFFFFFFF  }
0x1f: {  	s28 =	simm.s32 $_size_execute0_lowered;
	s1 =	sadd.s32 s1, s4;
	[dreg:$0x0] =	wrdreg $0x0  }
0x20: {  	s4 =	sshll.u32 s28, $0x1;
	[dreg:$0x2] =	wrdreg s1  }
0x21: {  	[dreg:$0x3] =	wrdreg s4  }
0x22: {  	[dreg:$0x4] =	wrdreg $0xC0  }
0x23: {  	_ =	task [dreg:s6], $0x5FFFF  }
0x24: {  	[dreg:$0x1] =	wrdreg $0xFFFFFFFF  }
0x25: {  	[dreg:$0x0] =	wrdreg $0x60  }
0x26: {  	[dreg:$0x2] =	wrdreg s25  }
0x27: {  	[dreg:$0x3] =	wrdreg $0x9  }
0x28: {  	_ =	task.clear_ibuf [dreg:s6], $0x4FFFF;
	_ =	strace $0x90000046  }
0x29: {  	s29 =	simm.s32 $0x9;
	_ =	strace $0x80000048  }
0x2a: {  	_ =	swait.ge [sflag:s29], $0x1  }
0x2b: {  	[sflag:s29] =	ssyncadd.s32 $0xFFFFFFFF  }
0x2c: {  	_ =	strace $0x90000048  }
0x2d: {  	_ =	sfence  }
0x2e: {  	s30 =	sld [smem:$0x0];
	_ =	sdelay $0x2  }
0x2f: {  	s31 =	sshll.u32 s3, $0xD;
	s3 =	sshrl.u32 s3, $0x2  }
0x30: {  	s2 =	sand.u32 $0x4000, s31;
	s1 =	sadd.s32 s3, s30  }
0x31: {  	s0 =	sor.u32 s2, s0;
	s1 =	sshll.u32 s1, $0x11  }
0x32: {  	s0 =	sor.u32 s1, s0  }
0x33: {  	s0 =	sadd.s32 $0x8F2B, s0  }
0x34: {  	[sflag:s0] =	ssyncadd.remote.s32 $0x1  }
0x35: {  	_ =	sfence.sel $0xFFFF  }
0x36: {  	[dreg:$0x0] =	wrdreg $0xFFFFFFFF;
	(pc) =	sbr.abs _section_cstart, $3  }
0x37: {  	[dreg:$0x1] =	wrdreg $0xFFFFFFFF  }
0x38: {  	_ =	task.clear_ibuf [dreg:s6], $0x2FFFF;
	_ =	strace $0x9FFFFFFF  }
0x39: {  	(tm) =	ssettm $0x7FFFFFFF  }
tec
execute0_lowered:
.L_overlay_start_1:
0x0: {  	(tag) =	ssettag $0x1  }
0x1: {  	s3 =	rddreg [dreg:$0x0];
	s1 =	stileid.u32  }
0x2: {  	s2 =	srdreg.scid;
	s0 =	rddreg [dreg:$0x1];
	_ =	strace $0x80000047  }
0x3: {  	s6 =	simm.s32 $0x1;
	s8 =	simm.s32 $0x2;
	s17 =	simm.s32 $0x0  }
0x4: {  	p0 =	por $0x0, $0x0;
	s9 =	simm.s32 $0x80;
	s18 =	simm.s32 $0x0  }
0x5: {  	s19 =	simm.s32 $0x0;
	s10 =	simm.s32 $0x0;
	s11 =	simm.s32 $0x0  }
0x6: {  	s12 =	simm.s32 $0x0;
	s4 =	sshll.u32 s1, $0x6;
	s2 =	sshll.u32 s2, $0xA  }
.Ltmp0:
0x7: {  	s14 =	simm.s32 $0x0;
	s4 =	sor.u32 s4, s2;
	(pc) =	sbr.rel .LBB1_1-.Ltmp0, $4  }
0x8: {  	s16 =	simm.s32 $0x0;
	s5 =	sand.u32 $0x3, s1;
	s4 =	sand.u32 $0x700, s4  }
0x9: {  	[sflag:s6] =	ssyncpa.u1 $0x0;
	s2 =	sadd.s32 $0x1800, s3;
	s7 =	ssub.s32 $0x18600, s4  }
0xa: {  	s3 =	sadd.s32 $0x188800, s3;
	[sflag:s8] =	ssyncpa.u1 $0x0;
	s7 =	sshrl.u32 s7, $0xB  }
0xb: {  	s15 =	smov.u32 s5;
	s13 =	smov.u32 s4;
	s8 =	sadd.s32 $0x2, s7  }
.LBB1_5:
0xc: {  	p1 =	slt.u32 s16, $0x2  }
0xd: {  	p2 =	sgt.s32 @!p1 s19, $0x3  }
0xe: {  	s20 =	smov.u32 s19;
	s21 =	sshra.s32 @!p1 s19, $0x1F;
	p2 =	por !p2, p1  }
0xf: {  	s19 =	sand.u32 @!p1 s21, s19;
	s20 =	simm.s32 @p2 $0x3  }
0x10: {  	p3 =	sgt.s32 @!p1 s18, $0x60;
	s19 =	ssub.s32 @!p1 s20, s19  }
0x11: {  	p3 =	por !p3, p1;
	s21 =	sshra.s32 @!p1 s18, $0x1F;
	s20 =	sadd.s32 @!p1 $0xFFFFFFFD, s19  }
0x12: {  	s19 =	ssub.s32 @!p1 $0x4, s19;
	p2 =	sgt.s32 @!p1 s20, $0x0;
	s20 =	smov.u32 s18  }
0x13: {  	s18 =	sand.u32 @!p1 s21, s18;
	s20 =	simm.s32 @p3 $0x60;
	p3 =	sgt.s32 @!p1 s17, $0x185A0  }
0x14: {  	s21 =	smov.u32 s17;
	p2 =	por !p2, p1;
	p3 =	por !p3, p1  }
0x15: {  	s18 =	ssub.s32 @!p1 s20, s18;
	s20 =	sshra.s32 @!p1 s17, $0x1F;
	s19 =	simm.s32 @!p2 $0x0  }
0x16: {  	s21 =	simm.s32 @p3 $0x185A0;
	s17 =	sand.u32 @!p1 s20, s17;
	s20 =	sadd.s32 @!p1 $0xFFFFFFA0, s18  }
0x17: {  	s18 =	ssub.s32 @!p1 $0x80, s18;
	s17 =	ssub.s32 @!p1 s21, s17;
	p2 =	sgt.s32 @!p1 s20, $0x1F  }
0x18: {  	s21 =	smov.u32 s14;
	s20 =	sadd.s32 @!p1 $0xFFFE7A60, s17;
	p2 =	por !p2, p1  }
0x19: {  	s17 =	ssub.s32 @!p1 $0x186A0, s17;
	p3 =	sgt.s32 @!p1 s20, $0xFF;
	s18 =	simm.s32 @!p2 $0x0  }
0x1a: {  	s20 =	sadd.s32 $0x800, s13;
	p2 =	por !p3, p1;
	s18 =	smul.u32 @!p1 s19, s18  }
0x1b: {  	s19 =	sadd.s32 $0x20, s14;
	s17 =	simm.s32 @!p2 $0x0;
	p2 =	sgt.s32 s20, $0x1869F  }
0x1c: {  	s22 =	smov.u32 s15;
	s21 =	smov.u32 @p2 s19  }
0x1d: {  	s17 =	smul.u32 @!p1 s17, s18;
	s18 =	sadd.s32 $0x4, s15;
	p3 =	sgt.s32 s21, $0x1F  }
0x1e: {  	p0 =	por !p0, !p0;
	s23 =	simm.s32 @!p1 $0x2;
	s22 =	smov.u32 @p3 s18  }
0x1f: {  	s20 =	smov.u32 @p2 s4;
	s19 =	smov.u32 s12;
	p2 =	sgt.s32 s22, $0x3  }
0x20: {  	s12 =	smov.u32 s15;
	s22 =	smov.u32 @p2 s5;
	p2 =	sne.s32 s16, s8  }
.Ltmp1:
0x21: {  	s17 =	sand.u32 @!p1 $0x3FFFFFFF, s17;
	s21 =	simm.s32 @p3 $0x0;
	(pc) =	sbr.rel @!p2 .LBB1_6-.Ltmp1, $4  }
0x22: {  	s18 =	smov.u32 s11;
	s11 =	smov.u32 s14;
	_ =	swait.ge @!p1 [sflag:s23], s17  }
0x23: {  	s24 =	ssub.s32 @!p1 $0x0, s17;
	s17 =	smov.u32 s10;
	s10 =	smov.u32 s13  }
0x24: {  	s13 =	smov.u32 s20;
	s14 =	smov.u32 s21;
	[sflag:s23] =	ssyncset.done @!p1 $0x0  }
0x25: {  	s16 =	sadd.s32 $0x1, s16;
	[sflag:s23] =	ssyncadd.s32 @!p1 s24;
	s15 =	smov.u32 s22  }
.LBB1_1:
0x26: {  	p1 =	sgt.u32 s16, s7  }
0x27: {  	s20 =	sshrl.u32 @!p1 s14, $0x3  }
0x28: {  	s21 =	sshll.u32 @!p1 s13, $0x3;
	s20 =	smul.u32 @!p1 $0xC3800, s20  }
0x29: {  	s22 =	sshll.u32 @!p1 s14, $0x7;
	s21 =	sand.u32 @!p1 $0xFFFFFC00, s21  }
0x2a: {  	s20 =	sadd.s32 @!p1 s20, s21;
	s21 =	sand.u32 @!p1 $0x380, s22  }
0x2b: {  	s22 =	sand.u32 @!p1 $0x7F, s13;
	s20 =	sor.u32 @!p1 s21, s20  }
0x2c: {  	s21 =	sor.u32 @!p1 s22, s20  }
0x2d: {  	s22 =	smulhi.u32 @!p1 $0xA79C7B17, s21  }
0x2e: {  	s20 =	smulhi.u32 @!p1 $0xA79C7B17, s20  }
0x2f: {  	s22 =	sshrl.u32 @!p1 s22, $0x10  }
0x30: {  	s20 =	sshrl.u32 @!p1 s20, $0x10;
	s22 =	smul.u32 @!p1 $0x18700, s22  }
0x31: {  	s23 =	sxor.u32 @!p1 $0xFFFFFFFF, s16;
	s24 =	smul.u32 @!p1 $0x61C00, s15;
	s20 =	sand.u32 @!p1 $0x1F, s20  }
0x32: {  	s23 =	sshll.u32 @!p1 s23, $0xD;
	s20 =	smul.u32 @!p1 $0x30E0, s20;
	s21 =	ssub.s32 @!p1 s21, s22  }
0x33: {  	s22 =	sand.u32 @!p1 $0x2000, s23;
	s23 =	sadd.s32 @!p1 s2, s24;
	s24 =	sand.u32 @!p1 $0x7, s21  }
0x34: {  	s21 =	sshrl.u32 @!p1 s21, $0x3;
	s20 =	sadd.s32 @!p1 s20, s23;
	s23 =	sshll.u32 @!p1 s24, $0x12  }
0x35: {  	s20 =	sadd.s32 @!p1 s21, s20;
	s21 =	sor.u32 @!p1 $0x800, s23;
	s23 =	simm.s32 @!p1 $0xC3800  }
0x36: {  	[tilespmem:s22], [sflag:$0x1] =	stream.strided.gather @!p1 [hbm4b:s20+s21], $0x2000, s23, s21, $0x38;
	[tilespmem:$0x8200] =	vst v63  }
0x37: {  	p1 =	seq.s32 s16, $0x0  }
0x38: {  	p2 =	sge.u32 @!p1 s16, s8  }
0x39: {  	p1 =	por p1, p2  }
.Ltmp2:
0x3a: {  	_ = 	snop;
	(pc) =	sbr.rel @p1 .LBB1_5-.Ltmp2, $1  }
0x3b: {  	_ =	sdelay $0x3  }
0x3c: {  	s22 =	simm.s32 $0x0  }
0x3d: {  	s23 =	sand.u32 $0x1800, s22;
	s24 =	sand.u32 $0x380, s22  }
0x3e: {  	s20 =	sand.u32 $0x1, s16;
	s24 =	sor.u32 s24, s23  }
0x3f: {  	_ =	swait.ge [sflag:s6], $0x2000;
	s21 =	sshll.u32 s20, $0xD;
	s23 =	sand.u32 $0x1B00, s24  }
0x40: {  	[sflag:s6] =	ssyncset.done $0x0;
	s22 =	sand.u32 $0x80, s22;
	s23 =	sadd.s32 s23, s21  }
0x41: {  	[sflag:s6] =	ssyncadd.s32 $0xFFFFE000;
	s26 =	sadd.s32 s22, s23  }
0x42: {  	v4 =	vld [tilespmem:s26+$0x400]  }
0x43: {  	s25 =	simm.s32 $0x1;
	v5 =	vld [tilespmem:s26+$0x0]  }
0x44: {  	s25 =	simm.s32 @!p0 $0x0;
	v6 =	vld [tilespmem:s26+$0x10]  }
0x45: {  	v0 =	vmov s21;
	s31 =	smul.u32 $0x8400, s25;
	v7 =	vld [tilespmem:s26+$0x20]  }
0x46: {  	v9 =	vld [tilespmem:s26+$0x30]  }
0x47: {  	s22 =	sshrl.u32 s31, $0x2;
	v10 =	vld [tilespmem:s26+$0x40]  }
0x48: {  	s22 =	sor.u32 $0x4000, s22;
	v11 =	vld [tilespmem:s26+$0x50]  }
0x49: {  	v8 =	vld [tilespmem:s26+$0x60];
	s23 =	sadd.s32 $0x0, s22  }
0x4a: {  	v1 =	vld.idx.msk [tilespmem:v0+s24+$0x410 ss:$0x1], $0xffff;
	[tilespmem:s23+$0x1080 ss:$0x21] =	vst.msk $0xffff, v4  }
0x4b: {  	v2 =	vld.idx.msk [tilespmem:v0+s24+$0x420 ss:$0x1], $0xffff;
	[tilespmem:s23+$0x0 ss:$0x21] =	vst.msk $0xffff, v5  }
0x4c: {  	v3 =	vld.idx.msk [tilespmem:v0+s24+$0x430 ss:$0x1], $0xffff;
	[tilespmem:s23+$0x210 ss:$0x21] =	vst.msk $0xffff, v6  }
0x4d: {  	s20 =	smul.u32 $0x8400, s20;
	[tilespmem:s23+$0x420 ss:$0x21] =	vst.msk $0xffff, v7;
	v7 =	vld [tilespmem:s26+$0x70]  }
0x4e: {  	s27 =	simm.s32 $0x80;
	s28 =	simm.s32 $0x8;
	[tilespmem:s23+$0x630 ss:$0x21] =	vst.msk $0xffff, v9;
	v4 =	vld.idx.msk [tilespmem:v0+s24+$0x440 ss:$0x1], $0xffff  }
0x4f: {  	s30 =	sand.u32 $0x380, s27;
	s20 =	sshrl.u32 s20, $0x2;
	[tilespmem:s23+$0x840 ss:$0x21] =	vst.msk $0xffff, v10;
	v5 =	vld.idx.msk [tilespmem:v0+s24+$0x450 ss:$0x1], $0xffff;
	s26 =	simm.s32 $0x100  }
0x50: {  	s25 =	simm.s32 $0x4;
	s20 =	sor.u32 $0x4000, s20;
	[tilespmem:s23+$0xA50 ss:$0x21] =	vst.msk $0xffff, v11;
	v6 =	vld.idx.msk [tilespmem:v0+s24+$0x460 ss:$0x1], $0xffff;
	s29 =	sand.u32 $0x1800, s26  }
.LBB1_3:
0x51: {  	p1 =	sne.s32 s28, $0x7C;
	[tilespmem:s23+$0xC60 ss:$0x21] =	vst.msk $0xffff, v8;
	v8 =	vld.idx.msk [tilespmem:v0+s24+$0x470 ss:$0x1], $0xffff;
	s24 =	sor.u32 s30, s29  }
0x52: {  	s29 =	sand.u32 $0x1B00, s24;
	v9 =	vld.idx.msk [tilespmem:v0+s24+$0x410 ss:$0x1], $0xffff;
	[tilespmem:s23+$0xE70 ss:$0x21] =	vst.msk $0xffff, v7  }
0x53: {  	s30 =	sand.u32 $0x80, s27;
	s29 =	sadd.s32 s29, s21;
	v7 =	vld.idx.msk [tilespmem:v0+s24+$0x420 ss:$0x1], $0xffff;
	[tilespmem:s23+$0x1290 ss:$0x21] =	vst.msk $0xffff, v1  }
0x54: {  	s29 =	sadd.s32 s30, s29;
	v10 =	vld.idx.msk [tilespmem:v0+s24+$0x430 ss:$0x1], $0xffff;
	[tilespmem:s23+$0x14A0 ss:$0x21] =	vst.msk $0xffff, v2  }
0x55: {  	v11 =	vld [tilespmem:s29+$0x400];
	[tilespmem:s23+$0x16B0 ss:$0x21] =	vst.msk $0xffff, v3  }
0x56: {  	v12 =	vld [tilespmem:s29+$0x0];
	[tilespmem:s23+$0x18C0 ss:$0x21] =	vst.msk $0xffff, v4  }
0x57: {  	v4 =	vld [tilespmem:s29+$0x10];
	[tilespmem:s23+$0x1AD0 ss:$0x21] =	vst.msk $0xffff, v5  }
0x58: {  	s30 =	sshra.s32 s25, $0x2;
	s25 =	smov.u32 s28;
	v1 =	vmov v9;
	v5 =	vld [tilespmem:s29+$0x20];
	[tilespmem:s23+$0x1CE0 ss:$0x21] =	vst.msk $0xffff, v6  }
0x59: {  	v2 =	vmov v7;
	v6 =	vld [tilespmem:s29+$0x30];
	[tilespmem:s23+$0x1EF0 ss:$0x21] =	vst.msk $0xffff, v8;
	s23 =	sadd.s32 s30, s22  }
0x5a: {  	v3 =	vmov v10;
	v9 =	vld [tilespmem:s29+$0x40];
	[tilespmem:s23+$0x1080 ss:$0x21] =	vst.msk $0xffff, v11  }
0x5b: {  	[tilespmem:s23+$0x0 ss:$0x21] =	vst.msk $0xffff, v12;
	v10 =	vld [tilespmem:s29+$0x50]  }
.Ltmp3:
0x5c: {  	[tilespmem:s23+$0x210 ss:$0x21] =	vst.msk $0xffff, v4;
	v8 =	vld [tilespmem:s29+$0x60];
	(pc) =	sbr.rel @p1 .LBB1_3-.Ltmp3, $4  }
0x5d: {  	[tilespmem:s23+$0x420 ss:$0x21] =	vst.msk $0xffff, v5;
	v7 =	vld [tilespmem:s29+$0x70]  }
0x5e: {  	[tilespmem:s23+$0x630 ss:$0x21] =	vst.msk $0xffff, v6;
	v4 =	vld.idx.msk [tilespmem:v0+s24+$0x440 ss:$0x1], $0xffff  }
0x5f: {  	s27 =	sadd.s32 $0x80, s27;
	s26 =	sadd.s32 $0x100, s26;
	[tilespmem:s23+$0x840 ss:$0x21] =	vst.msk $0xffff, v9;
	v5 =	vld.idx.msk [tilespmem:v0+s24+$0x450 ss:$0x1], $0xffff  }
0x60: {  	s28 =	sadd.s32 $0x4, s28;
	s30 =	sand.u32 $0x380, s27;
	s29 =	sand.u32 $0x1800, s26;
	[tilespmem:s23+$0xA50 ss:$0x21] =	vst.msk $0xffff, v10;
	v6 =	vld.idx.msk [tilespmem:v0+s24+$0x460 ss:$0x1], $0xffff  }
0x61: {  	_ =	sdelay $0x3  }
0x62: {  	s26 =	sor.u32 s30, s29;
	v47 =	vld.idx.msk [tilespmem:v0+s24+$0x470 ss:$0x1], $0xffff  }
0x63: {  	[tilespmem:s23+$0xC60 ss:$0x21] =	vst.msk $0xffff, v8;
	v57 =	vld.idx.msk [tilespmem:v0+s26+$0x410 ss:$0x1], $0xffff  }
0x64: {  	[tilespmem:s23+$0x1290 ss:$0x21] =	vst.msk $0xffff, v1;
	v58 =	vld.idx.msk [tilespmem:v0+s26+$0x420 ss:$0x1], $0xffff  }
0x65: {  	[tilespmem:s23+$0x14A0 ss:$0x21] =	vst.msk $0xffff, v2;
	v59 =	vld.idx.msk [tilespmem:v0+s26+$0x430 ss:$0x1], $0xffff  }
0x66: {  	[tilespmem:s23+$0x16B0 ss:$0x21] =	vst.msk $0xffff, v3;
	v60 =	vld.idx.msk [tilespmem:v0+s26+$0x440 ss:$0x1], $0xffff  }
0x67: {  	s27 =	sand.u32 $0x80, s27;
	s28 =	sand.u32 $0x1B00, s26;
	[tilespmem:s23+$0xE70 ss:$0x21] =	vst.msk $0xffff, v7;
	v61 =	vld.idx.msk [tilespmem:v0+s26+$0x450 ss:$0x1], $0xffff  }
0x68: {  	s29 =	sshll.u32 s11, $0x3;
	s25 =	sshra.s32 s25, $0x2;
	v62 =	vld.idx.msk [tilespmem:v0+s26+$0x460 ss:$0x1], $0xffff;
	s21 =	sadd.s32 s28, s21;
	[tilespmem:s23+$0x18C0 ss:$0x21] =	vst.msk $0xffff, v4  }
0x69: {  	p1 =	sgt.s32 s12, $0x3;
	p2 =	sgt.s32 s11, $0x60;
	v63 =	vld.idx.msk [tilespmem:v0+s26+$0x470 ss:$0x1], $0xffff;
	s24 =	sadd.s32 s27, s21;
	[tilespmem:s23+$0x1AD0 ss:$0x21] =	vst.msk $0xffff, v5  }
0x6a: {  	s31 =	sand.u32 $0xFFFFFC00, s29;
	s26 =	smul.u32 $0x186A00, s12;
	s27 =	sshll.u32 s10, $0x7;
	v48 =	vld [tilespmem:s24+$0x400];
	[tilespmem:s23+$0x1CE0 ss:$0x21] =	vst.msk $0xffff, v6  }
0x6b: {  	s28 =	sshra.s32 s12, $0x1F;
	s21 =	sadd.s32 s25, s22;
	v49 =	vld [tilespmem:s24+$0x0];
	s30 =	sand.u32 $0xFFFFFC00, s27;
	[tilespmem:s23+$0x1EF0 ss:$0x21] =	vst.msk $0xffff, v47  }
0x6c: {  	v50 =	vld [tilespmem:s24+$0x10];
	s27 =	sand.u32 $0x380, s27;
	s25 =	sadd.s32 s31, s30;
	s23 =	smov.u32 s12;
	[tilespmem:s21+$0x1290 ss:$0x21] =	vst.msk $0xffff, v57  }
0x6d: {  	v51 =	vld [tilespmem:s24+$0x20];
	s30 =	sshra.s32 s11, $0x1F;
	s22 =	sor.u32 s27, s25;
	s23 =	simm.s32 @!p1 $0x3;
	[tilespmem:s21+$0x14A0 ss:$0x21] =	vst.msk $0xffff, v58  }
0x6e: {  	v52 =	vld [tilespmem:s24+$0x30];
	s25 =	sand.u32 s28, s12;
	s31 =	sand.u32 s30, s11;
	s28 =	smov.u32 s10;
	[tilespmem:s21+$0x16B0 ss:$0x21] =	vst.msk $0xffff, v59  }
0x6f: {  	v53 =	vld [tilespmem:s24+$0x40];
	[tilespmem:s21+$0x18C0 ss:$0x21] =	vst.msk $0xffff, v60;
	s22 =	sshrl.u32 s22, $0x7;
	s23 =	ssub.s32 s23, s25;
	s25 =	smov.u32 s11  }
0x70: {  	v54 =	vld [tilespmem:s24+$0x50];
	[tilespmem:s21+$0x1AD0 ss:$0x21] =	vst.msk $0xffff, v61;
	s27 =	smulhi.u32 $0x14F8B59, s22;
	s29 =	sadd.s32 $0xFFFFFFFD, s23;
	s25 =	simm.s32 @!p2 $0x60  }
0x71: {  	v55 =	vld [tilespmem:s24+$0x60];
	[tilespmem:s21+$0x1CE0 ss:$0x21] =	vst.msk $0xffff, v62;
	p2 =	sgt.s32 s10, $0x185A0;
	s23 =	ssub.s32 $0x4, s23;
	p1 =	sgt.s32 s29, $0x0  }
0x72: {  	v56 =	vld [tilespmem:s24+$0x70];
	[tilespmem:s21+$0x1EF0 ss:$0x21] =	vst.msk $0xffff, v63;
	s24 =	ssub.s32 s25, s31;
	s29 =	sshra.s32 s10, $0x1F;
	s28 =	simm.s32 @!p2 $0x185A0  }
0x73: {  	[tilespmem:s21+$0x1080 ss:$0x21] =	vst.msk $0xffff, v48;
	s27 =	sshrl.u32 s27, $0x9;
	s25 =	sand.u32 s29, s10;
	s30 =	sadd.s32 $0xFFFFFFA0, s24  }
0x74: {  	[tilespmem:s21+$0x0 ss:$0x21] =	vst.msk $0xffff, v49;
	s23 =	simm.s32 @p1 $0x0;
	s24 =	ssub.s32 $0x80, s24;
	s25 =	ssub.s32 s28, s25  }
0x75: {  	[tilespmem:s21+$0x210 ss:$0x21] =	vst.msk $0xffff, v50;
	p1 =	sgt.s32 s30, $0x1F;
	s27 =	smul.u32 $0x186A0, s27;
	s28 =	sand.u32 $0x7, s11  }
0x76: {  	[tilespmem:s21+$0x420 ss:$0x21] =	vst.msk $0xffff, v51;
	s31 =	sadd.s32 $0xFFFE7A60, s25;
	s24 =	simm.s32 @p1 $0x0;
	s25 =	ssub.s32 $0x186A0, s25  }
0x77: {  	[tilespmem:s21+$0x630 ss:$0x21] =	vst.msk $0xffff, v52;
	p1 =	sgt.s32 s31, $0xFF;
	s23 =	smul.u32 s23, s24;
	s22 =	ssub.s32 s22, s27  }
.Ltmp4:
0x78: {  	[tilespmem:s21+$0x840 ss:$0x21] =	vst.msk $0xffff, v53;
	s27 =	sshrl.u32 s11, $0x3;
	s25 =	simm.s32 @p1 $0x0;
	(pc) =	sbr.rel .LBB1_5-.Ltmp4, $4  }
0x79: {  	[tilespmem:s21+$0xA50 ss:$0x21] =	vst.msk $0xffff, v54;
	s24 =	sadd.s32 s3, s26;
	s23 =	smul.u32 s25, s23;
	s25 =	sand.u32 $0xF, s27  }
0x7a: {  	[tilespmem:s21+$0xC60 ss:$0x21] =	vst.msk $0xffff, v55;
	s29 =	sshll.u32 s28, $0x12;
	s22 =	sshll.u32 s22, $0x4;
	s24 =	sadd.s32 s25, s24  }
0x7b: {  	[tilespmem:s21+$0xE70 ss:$0x21] =	vst.msk $0xffff, v56;
	s31 =	sor.u32 $0x20, s29;
	s30 =	sand.u32 $0x3FFFFFFF, s23;
	s22 =	sadd.s32 s22, s24  }
0x7c: {  	[hbm4b:s22+s31] =	stream.strided.scatter [tilespmem:s20], [sflag:$0x2], s30, s9, s31, $0x10;
	[tilespmem:$0x8200] =	vst v63  }
.LBB1_6:
0x7d: {  	_ =	sfence.sel $0x180000  }
0x7e: {  	s2 =	simm.s32 $0x1;
	[bflag:$0x0] =	sbarrier.arrive $0xFFFF  }
0x7f: {  	s31 =	simm.s32 $0x2;
	[sflag:s2] =	ssyncpa.u1 $0x1  }
0x80: {  	[sflag:s31] =	ssyncpa.u1 $0x1  }
0x81: {  	p0 =	sne.s32 s1, $0x0;
	_ =	strace $0x90000047  }
0x82: {  	s0 =	sadd.s32 @!p0 $0x100000, s0;
	[bflag:$0x2] =	sbarrier.arrive $0xFFFF  }
0x83: {  	[sflag:s0] =	ssyncadd.tile.s32 @!p0 $0x1;
	_ =	shalt  }
.Lfunc_end1:
_tile_overlayer_lowered:
.L_overlay_start_2:
0x84: {  	(tag) =	ssettag $0x2  }
0x85: {  	s0 =	rddreg [dreg:$0x0];
	s2 =	stileid.u32  }
0x86: {  	s1 =	rddreg [dreg:$0x1];
	p0 =	sne.s32 s2, $0x0  }
0x87: {  	s3 =	rddreg [dreg:$0x2];
	[bflag:$0x3] =	sbarrier.arrive $0xFFFF;
	s2 =	simm.s32 @!p0 $0x1C01  }
0x88: {  	[timem:s3], [sflag:s2] =	dma.local @!p0 [hbm:s0], s1  }
0x89: {  	s0 =	simm.s32 @!p0 $0x1  }
0x8a: {  	_ =	swait.ge @!p0 [sflag:s0], s1  }
0x8b: {  	s1 =	ssub.s32 @!p0 $0x0, s1;
	[sflag:s0] =	ssyncset.done @!p0 $0x0  }
0x8c: {  	[sflag:s0] =	ssyncadd.s32 @!p0 s1  }
0x8d: {  	[bflag:$0x3] =	sbarrier.arrive $0xFFFF  }
0x8e: {  	_ =	shalt  }

</sc_bundles>
